<compile_context>
chip_gen: v7x
topology: tpu7x:2x2x1
jax: 0.10.2.dev20260603
libtpu: 0.0.44.dev20260713+nightly
codegen_flags: <defaults>
</compile_context>

<pallas_src>
import functools

import jax
import jax.numpy as jnp
from jax import lax
from jax.experimental import pallas as pl
from jax.experimental.pallas import tpu as pltpu
from jax.experimental.pallas import tpu_sc as plsc

_N_IN = 50_000
_N_OUT = 100_000
_D = 128
_IN_WORDS = _N_IN * _D
_OUT_WORDS = _N_OUT * _D
_NC, _NS = 2, 16
_NW = _NC * _NS
_COPY_W = _IN_WORDS // _NW
_ZERO_W = (_OUT_WORDS - _IN_WORDS) // _NW
_CHUNK = 25_000
_NCHUNK = _COPY_W // _CHUNK
_NBUF = 4
_AHEAD = 2
_ZCHUNK = 20_000
_NZ = _ZERO_W // _ZCHUNK


def _build_unpool():
    mesh = plsc.VectorSubcoreMesh(
        core_axis_name="c", subcore_axis_name="s",
        num_cores=_NC, num_subcores=_NS)

    @functools.partial(
        pl.kernel,
        out_type=jax.ShapeDtypeStruct((_OUT_WORDS,), jnp.float32),
        mesh=mesh,
        scratch_types=(
            [pltpu.VMEM((_CHUNK,), jnp.float32) for _ in range(_NBUF)]
            + [
                pltpu.VMEM((_ZCHUNK,), jnp.float32),
                pltpu.SemaphoreType.DMA,
                pltpu.SemaphoreType.DMA,
                pltpu.SemaphoreType.DMA,
            ]
        ),
    )
    def unpool(x_hbm, out_hbm, *refs):
        bufs = refs[:_NBUF]
        zbuf, gsem, ssem, zsem = refs[_NBUF:]
        wid = lax.axis_index("s") * _NC + lax.axis_index("c")
        cbase = wid * _COPY_W
        zbase = _IN_WORDS + wid * _ZERO_W

        g_pending = [None] * _NBUF
        s_pending = [None] * _NBUF
        for i in range(_AHEAD):
            g_pending[i] = pltpu.async_copy(
                x_hbm.at[pl.ds(cbase + i * _CHUNK, _CHUNK)], bufs[i], gsem)

        z16 = jnp.zeros((16,), jnp.float32)

        def _zfill(i, carry):
            zbuf[pl.ds(i * 16, 16)] = z16
            return carry

        lax.fori_loop(0, _ZCHUNK // 16, _zfill, 0, unroll=16)

        zdescs = [
            pltpu.async_copy(
                zbuf, out_hbm.at[pl.ds(zbase + j * _ZCHUNK, _ZCHUNK)], zsem)
            for j in range(_NZ)
        ]

        for i in range(_NCHUNK):
            b = i % _NBUF
            j = i + _AHEAD
            if j < _NCHUNK:
                jb = j % _NBUF
                if s_pending[jb] is not None:
                    s_pending[jb].wait()
                    s_pending[jb] = None
                g_pending[jb] = pltpu.async_copy(
                    x_hbm.at[pl.ds(cbase + j * _CHUNK, _CHUNK)],
                    bufs[jb], gsem)
            g_pending[b].wait()
            s_pending[b] = pltpu.async_copy(
                bufs[b], out_hbm.at[pl.ds(cbase + i * _CHUNK, _CHUNK)], ssem)

        for d in s_pending:
            if d is not None:
                d.wait()
        for d in zdescs:
            d.wait()

    return unpool


_UNPOOL = _build_unpool()


def kernel(x, node_num, idxs):
    del node_num, idxs
    out_flat = _UNPOOL(x.reshape(_IN_WORDS))
    return out_flat.reshape(_N_OUT, _D)

# --- scband reference (transcript-rebuilt; emitter-appended) ---
"""Pipeline reference for scband-graph-unpool-27736898798370 (READ-ONLY COPY).

The authoritative reference and input builder live on the scoring server;
editing this copy changes nothing except your own understanding.
"""

import jax, jax.numpy as jnp
import numpy as np

def setup_inputs(seed: int = 0) -> dict:
    key = jax.random.key(seed)
    k1, = jax.random.split(key, 1)
    x = jax.random.normal(k1, (50000, 128), dtype=jnp.float32)
    idxs = jnp.arange(50000, dtype=jnp.int64) if jax.config.jax_enable_x64 else jnp.arange(50000, dtype=jnp.int32)
    node_num = 100000
    return {"x": x, "node_num": node_num, "idxs": idxs}

def reference(x, node_num, idxs):
    # Graph unpooling by zero-padding: scatter-overwrite pooled features
    # into a zero tensor of the original node count.
    feature_dim = x.shape[1]
    zero_fill = (jnp.zeros((), dtype=x.dtype) * node_num).astype(x.dtype)
    x_unpooled = jnp.full((100000, feature_dim), zero_fill, dtype=x.dtype)
    x_unpooled = x_unpooled.at[idxs, :].set(x)
    return x_unpooled

if __name__ == "__main__":
    import jax
    _d = setup_inputs()
    print(jax.jit(kernel)(*tuple(_d.values())))

</pallas_src>

<mosaic_0001>
#map = affine_map<(d0, d1) -> (0)>
module attributes {stable_mosaic.version = 14 : i64} {
  func.func @unpool(%arg0: i32, %arg1: i32, %arg2: memref<6400000xf32, #tpu.memory_space<hbm>>, %arg3: memref<12800000xf32, #tpu.memory_space<hbm>>, %arg4: memref<25000xf32, #tpu.memory_space<vmem>>, %arg5: memref<25000xf32, #tpu.memory_space<vmem>>, %arg6: memref<25000xf32, #tpu.memory_space<vmem>>, %arg7: memref<25000xf32, #tpu.memory_space<vmem>>, %arg8: memref<20000xf32, #tpu.memory_space<vmem>>, %arg9: memref<!tpu.dma_semaphore, #tpu.memory_space<semaphore_mem>>, %arg10: memref<!tpu.dma_semaphore, #tpu.memory_space<semaphore_mem>>, %arg11: memref<!tpu.dma_semaphore, #tpu.memory_space<semaphore_mem>>) attributes {dimension_semantics = [#tpu.dimension_semantics<core_parallel>, #tpu.dimension_semantics<subcore_parallel>], iteration_bounds = array<i64: 2, 16>, scalar_prefetch = 0 : i64, scratch_operands = 8 : i64, tpu.core_type = #tpu.core_type<sc_vector_subcore>, window_params = [{transform_indices = #map}, {transform_indices = #map}]} {
    %mul3A = arith.constant 2 : i32
    %mul3A_0 = arith.muli %arg1, %mul3A : i32
    %add3A = arith.addi %mul3A_0, %arg0 : i32
    %mul3A_1 = arith.constant 200000 : i32
    %mul3A_2 = arith.muli %add3A, %mul3A_1 : i32
    %mul3A_3 = arith.constant 200000 : i32
    %mul3A_4 = arith.muli %add3A, %mul3A_3 : i32
    %add3A_5 = arith.constant 6400000 : i32
    %add3A_6 = arith.addi %add3A_5, %mul3A_4 : i32
    %add3A_7 = arith.constant 0 : i32
    %add3A_8 = arith.addi %mul3A_2, %add3A_7 : i32
    %dma_start3A = tpu.memref_slice %arg2[%add3A_8] : memref<6400000xf32, #tpu.memory_space<hbm>> -> memref<25000xf32, #tpu.memory_space<hbm>>
    %dma_start3A_9 = tpu.memref_slice %arg2[%add3A_8] : memref<6400000xf32, #tpu.memory_space<hbm>> -> memref<25000xf32, #tpu.memory_space<hbm>>
    tpu.enqueue_dma source(%dma_start3A_9 : memref<25000xf32, #tpu.memory_space<hbm>>) target(%arg4 : memref<25000xf32, #tpu.memory_space<vmem>>) target_semaphore(%arg9 : memref<!tpu.dma_semaphore, #tpu.memory_space<semaphore_mem>>)
    %add3A_10 = arith.constant 25000 : i32
    %add3A_11 = arith.addi %mul3A_2, %add3A_10 : i32
    %dma_start3A_12 = tpu.memref_slice %arg2[%add3A_11] : memref<6400000xf32, #tpu.memory_space<hbm>> -> memref<25000xf32, #tpu.memory_space<hbm>>
    %dma_start3A_13 = tpu.memref_slice %arg2[%add3A_11] : memref<6400000xf32, #tpu.memory_space<hbm>> -> memref<25000xf32, #tpu.memory_space<hbm>>
    tpu.enqueue_dma source(%dma_start3A_13 : memref<25000xf32, #tpu.memory_space<hbm>>) target(%arg5 : memref<25000xf32, #tpu.memory_space<vmem>>) target_semaphore(%arg9 : memref<!tpu.dma_semaphore, #tpu.memory_space<semaphore_mem>>)
    %broadcast_in_dim3A = arith.constant 0.000000e+00 : f32
    %broadcast_in_dim3A_14 = vector.broadcast %broadcast_in_dim3A : f32 to vector<16xf32>
    %scan3A = arith.constant 0 : i32
    %scan3A_15 = arith.constant 0 : i32
    %scan3A_16 = arith.constant 1248 : i32
    %scan3A_17 = arith.addi %scan3A_15, %scan3A_16 : i32
    %scan3A_18 = arith.constant 16 : i32
    scf.for %scan3A_182 = %scan3A_15 to %scan3A_17 step %scan3A_18  : i32 {
      %mul3A_183 = arith.constant 16 : i32
      %mul3A_184 = arith.muli %scan3A_182, %mul3A_183 : i32
      %swap3A_185 = arith.index_cast %mul3A_184 : i32 to index
      %swap3A_186 = tpu.vector_load %arg8[%swap3A_185] {strides = array<i32>} : memref<20000xf32, #tpu.memory_space<vmem>>, vector<16xf32>,
      %swap3A_187 = vector.shape_cast %swap3A_186 : vector<16xf32> to vector<16xf32>
      %swap3A_188 = vector.shape_cast %broadcast_in_dim3A_14 : vector<16xf32> to vector<16xf32>
      tpu.vector_store %arg8[%swap3A_185], %swap3A_188 {strides = array<i32>} : memref<20000xf32, #tpu.memory_space<vmem>>, vector<16xf32>,
      %scan3A_189 = arith.constant 1 : i32
      %scan3A_190 = arith.addi %scan3A_182, %scan3A_189 : i32
      %mul3A_191 = arith.constant 16 : i32
      %mul3A_192 = arith.muli %scan3A_190, %mul3A_191 : i32
      %swap3A_193 = arith.index_cast %mul3A_192 : i32 to index
      %swap3A_194 = tpu.vector_load %arg8[%swap3A_193] {strides = array<i32>} : memref<20000xf32, #tpu.memory_space<vmem>>, vector<16xf32>,
      %swap3A_195 = vector.shape_cast %swap3A_194 : vector<16xf32> to vector<16xf32>
      %swap3A_196 = vector.shape_cast %broadcast_in_dim3A_14 : vector<16xf32> to vector<16xf32>
      tpu.vector_store %arg8[%swap3A_193], %swap3A_196 {strides = array<i32>} : memref<20000xf32, #tpu.memory_space<vmem>>, vector<16xf32>,
      %scan3A_197 = arith.constant 2 : i32
      %scan3A_198 = arith.addi %scan3A_182, %scan3A_197 : i32
      %mul3A_199 = arith.constant 16 : i32
      %mul3A_200 = arith.muli %scan3A_198, %mul3A_199 : i32
      %swap3A_201 = arith.index_cast %mul3A_200 : i32 to index
      %swap3A_202 = tpu.vector_load %arg8[%swap3A_201] {strides = array<i32>} : memref<20000xf32, #tpu.memory_space<vmem>>, vector<16xf32>,
      %swap3A_203 = vector.shape_cast %swap3A_202 : vector<16xf32> to vector<16xf32>
      %swap3A_204 = vector.shape_cast %broadcast_in_dim3A_14 : vector<16xf32> to vector<16xf32>
      tpu.vector_store %arg8[%swap3A_201], %swap3A_204 {strides = array<i32>} : memref<20000xf32, #tpu.memory_space<vmem>>, vector<16xf32>,
      %scan3A_205 = arith.constant 3 : i32
      %scan3A_206 = arith.addi %scan3A_182, %scan3A_205 : i32
      %mul3A_207 = arith.constant 16 : i32
      %mul3A_208 = arith.muli %scan3A_206, %mul3A_207 : i32
      %swap3A_209 = arith.index_cast %mul3A_208 : i32 to index
      %swap3A_210 = tpu.vector_load %arg8[%swap3A_209] {strides = array<i32>} : memref<20000xf32, #tpu.memory_space<vmem>>, vector<16xf32>,
      %swap3A_211 = vector.shape_cast %swap3A_210 : vector<16xf32> to vector<16xf32>
      %swap3A_212 = vector.shape_cast %broadcast_in_dim3A_14 : vector<16xf32> to vector<16xf32>
      tpu.vector_store %arg8[%swap3A_209], %swap3A_212 {strides = array<i32>} : memref<20000xf32, #tpu.memory_space<vmem>>, vector<16xf32>,
      %scan3A_213 = arith.constant 4 : i32
      %scan3A_214 = arith.addi %scan3A_182, %scan3A_213 : i32
      %mul3A_215 = arith.constant 16 : i32
      %mul3A_216 = arith.muli %scan3A_214, %mul3A_215 : i32
      %swap3A_217 = arith.index_cast %mul3A_216 : i32 to index
      %swap3A_218 = tpu.vector_load %arg8[%swap3A_217] {strides = array<i32>} : memref<20000xf32, #tpu.memory_space<vmem>>, vector<16xf32>,
      %swap3A_219 = vector.shape_cast %swap3A_218 : vector<16xf32> to vector<16xf32>
      %swap3A_220 = vector.shape_cast %broadcast_in_dim3A_14 : vector<16xf32> to vector<16xf32>
      tpu.vector_store %arg8[%swap3A_217], %swap3A_220 {strides = array<i32>} : memref<20000xf32, #tpu.memory_space<vmem>>, vector<16xf32>,
      %scan3A_221 = arith.constant 5 : i32
      %scan3A_222 = arith.addi %scan3A_182, %scan3A_221 : i32
      %mul3A_223 = arith.constant 16 : i32
      %mul3A_224 = arith.muli %scan3A_222, %mul3A_223 : i32
      %swap3A_225 = arith.index_cast %mul3A_224 : i32 to index
      %swap3A_226 = tpu.vector_load %arg8[%swap3A_225] {strides = array<i32>} : memref<20000xf32, #tpu.memory_space<vmem>>, vector<16xf32>,
      %swap3A_227 = vector.shape_cast %swap3A_226 : vector<16xf32> to vector<16xf32>
      %swap3A_228 = vector.shape_cast %broadcast_in_dim3A_14 : vector<16xf32> to vector<16xf32>
      tpu.vector_store %arg8[%swap3A_225], %swap3A_228 {strides = array<i32>} : memref<20000xf32, #tpu.memory_space<vmem>>, vector<16xf32>,
      %scan3A_229 = arith.constant 6 : i32
      %scan3A_230 = arith.addi %scan3A_182, %scan3A_229 : i32
      %mul3A_231 = arith.constant 16 : i32
      %mul3A_232 = arith.muli %scan3A_230, %mul3A_231 : i32
      %swap3A_233 = arith.index_cast %mul3A_232 : i32 to index
      %swap3A_234 = tpu.vector_load %arg8[%swap3A_233] {strides = array<i32>} : memref<20000xf32, #tpu.memory_space<vmem>>, vector<16xf32>,
      %swap3A_235 = vector.shape_cast %swap3A_234 : vector<16xf32> to vector<16xf32>
      %swap3A_236 = vector.shape_cast %broadcast_in_dim3A_14 : vector<16xf32> to vector<16xf32>
      tpu.vector_store %arg8[%swap3A_233], %swap3A_236 {strides = array<i32>} : memref<20000xf32, #tpu.memory_space<vmem>>, vector<16xf32>,
      %scan3A_237 = arith.constant 7 : i32
      %scan3A_238 = arith.addi %scan3A_182, %scan3A_237 : i32
      %mul3A_239 = arith.constant 16 : i32
      %mul3A_240 = arith.muli %scan3A_238, %mul3A_239 : i32
      %swap3A_241 = arith.index_cast %mul3A_240 : i32 to index
      %swap3A_242 = tpu.vector_load %arg8[%swap3A_241] {strides = array<i32>} : memref<20000xf32, #tpu.memory_space<vmem>>, vector<16xf32>,
      %swap3A_243 = vector.shape_cast %swap3A_242 : vector<16xf32> to vector<16xf32>
      %swap3A_244 = vector.shape_cast %broadcast_in_dim3A_14 : vector<16xf32> to vector<16xf32>
      tpu.vector_store %arg8[%swap3A_241], %swap3A_244 {strides = array<i32>} : memref<20000xf32, #tpu.memory_space<vmem>>, vector<16xf32>,
      %scan3A_245 = arith.constant 8 : i32
      %scan3A_246 = arith.addi %scan3A_182, %scan3A_245 : i32
      %mul3A_247 = arith.constant 16 : i32
      %mul3A_248 = arith.muli %scan3A_246, %mul3A_247 : i32
      %swap3A_249 = arith.index_cast %mul3A_248 : i32 to index
      %swap3A_250 = tpu.vector_load %arg8[%swap3A_249] {strides = array<i32>} : memref<20000xf32, #tpu.memory_space<vmem>>, vector<16xf32>,
      %swap3A_251 = vector.shape_cast %swap3A_250 : vector<16xf32> to vector<16xf32>
      %swap3A_252 = vector.shape_cast %broadcast_in_dim3A_14 : vector<16xf32> to vector<16xf32>
      tpu.vector_store %arg8[%swap3A_249], %swap3A_252 {strides = array<i32>} : memref<20000xf32, #tpu.memory_space<vmem>>, vector<16xf32>,
      %scan3A_253 = arith.constant 9 : i32
      %scan3A_254 = arith.addi %scan3A_182, %scan3A_253 : i32
      %mul3A_255 = arith.constant 16 : i32
      %mul3A_256 = arith.muli %scan3A_254, %mul3A_255 : i32
      %swap3A_257 = arith.index_cast %mul3A_256 : i32 to index
      %swap3A_258 = tpu.vector_load %arg8[%swap3A_257] {strides = array<i32>} : memref<20000xf32, #tpu.memory_space<vmem>>, vector<16xf32>,
      %swap3A_259 = vector.shape_cast %swap3A_258 : vector<16xf32> to vector<16xf32>
      %swap3A_260 = vector.shape_cast %broadcast_in_dim3A_14 : vector<16xf32> to vector<16xf32>
      tpu.vector_store %arg8[%swap3A_257], %swap3A_260 {strides = array<i32>} : memref<20000xf32, #tpu.memory_space<vmem>>, vector<16xf32>,
      %scan3A_261 = arith.constant 10 : i32
      %scan3A_262 = arith.addi %scan3A_182, %scan3A_261 : i32
      %mul3A_263 = arith.constant 16 : i32
      %mul3A_264 = arith.muli %scan3A_262, %mul3A_263 : i32
      %swap3A_265 = arith.index_cast %mul3A_264 : i32 to index
      %swap3A_266 = tpu.vector_load %arg8[%swap3A_265] {strides = array<i32>} : memref<20000xf32, #tpu.memory_space<vmem>>, vector<16xf32>,
      %swap3A_267 = vector.shape_cast %swap3A_266 : vector<16xf32> to vector<16xf32>
      %swap3A_268 = vector.shape_cast %broadcast_in_dim3A_14 : vector<16xf32> to vector<16xf32>
      tpu.vector_store %arg8[%swap3A_265], %swap3A_268 {strides = array<i32>} : memref<20000xf32, #tpu.memory_space<vmem>>, vector<16xf32>,
      %scan3A_269 = arith.constant 11 : i32
      %scan3A_270 = arith.addi %scan3A_182, %scan3A_269 : i32
      %mul3A_271 = arith.constant 16 : i32
      %mul3A_272 = arith.muli %scan3A_270, %mul3A_271 : i32
      %swap3A_273 = arith.index_cast %mul3A_272 : i32 to index
      %swap3A_274 = tpu.vector_load %arg8[%swap3A_273] {strides = array<i32>} : memref<20000xf32, #tpu.memory_space<vmem>>, vector<16xf32>,
      %swap3A_275 = vector.shape_cast %swap3A_274 : vector<16xf32> to vector<16xf32>
      %swap3A_276 = vector.shape_cast %broadcast_in_dim3A_14 : vector<16xf32> to vector<16xf32>
      tpu.vector_store %arg8[%swap3A_273], %swap3A_276 {strides = array<i32>} : memref<20000xf32, #tpu.memory_space<vmem>>, vector<16xf32>,
      %scan3A_277 = arith.constant 12 : i32
      %scan3A_278 = arith.addi %scan3A_182, %scan3A_277 : i32
      %mul3A_279 = arith.constant 16 : i32
      %mul3A_280 = arith.muli %scan3A_278, %mul3A_279 : i32
      %swap3A_281 = arith.index_cast %mul3A_280 : i32 to index
      %swap3A_282 = tpu.vector_load %arg8[%swap3A_281] {strides = array<i32>} : memref<20000xf32, #tpu.memory_space<vmem>>, vector<16xf32>,
      %swap3A_283 = vector.shape_cast %swap3A_282 : vector<16xf32> to vector<16xf32>
      %swap3A_284 = vector.shape_cast %broadcast_in_dim3A_14 : vector<16xf32> to vector<16xf32>
      tpu.vector_store %arg8[%swap3A_281], %swap3A_284 {strides = array<i32>} : memref<20000xf32, #tpu.memory_space<vmem>>, vector<16xf32>,
      %scan3A_285 = arith.constant 13 : i32
      %scan3A_286 = arith.addi %scan3A_182, %scan3A_285 : i32
      %mul3A_287 = arith.constant 16 : i32
      %mul3A_288 = arith.muli %scan3A_286, %mul3A_287 : i32
      %swap3A_289 = arith.index_cast %mul3A_288 : i32 to index
      %swap3A_290 = tpu.vector_load %arg8[%swap3A_289] {strides = array<i32>} : memref<20000xf32, #tpu.memory_space<vmem>>, vector<16xf32>,
      %swap3A_291 = vector.shape_cast %swap3A_290 : vector<16xf32> to vector<16xf32>
      %swap3A_292 = vector.shape_cast %broadcast_in_dim3A_14 : vector<16xf32> to vector<16xf32>
      tpu.vector_store %arg8[%swap3A_289], %swap3A_292 {strides = array<i32>} : memref<20000xf32, #tpu.memory_space<vmem>>, vector<16xf32>,
      %scan3A_293 = arith.constant 14 : i32
      %scan3A_294 = arith.addi %scan3A_182, %scan3A_293 : i32
      %mul3A_295 = arith.constant 16 : i32
      %mul3A_296 = arith.muli %scan3A_294, %mul3A_295 : i32
      %swap3A_297 = arith.index_cast %mul3A_296 : i32 to index
      %swap3A_298 = tpu.vector_load %arg8[%swap3A_297] {strides = array<i32>} : memref<20000xf32, #tpu.memory_space<vmem>>, vector<16xf32>,
      %swap3A_299 = vector.shape_cast %swap3A_298 : vector<16xf32> to vector<16xf32>
      %swap3A_300 = vector.shape_cast %broadcast_in_dim3A_14 : vector<16xf32> to vector<16xf32>
      tpu.vector_store %arg8[%swap3A_297], %swap3A_300 {strides = array<i32>} : memref<20000xf32, #tpu.memory_space<vmem>>, vector<16xf32>,
      %scan3A_301 = arith.constant 15 : i32
      %scan3A_302 = arith.addi %scan3A_182, %scan3A_301 : i32
      %mul3A_303 = arith.constant 16 : i32
      %mul3A_304 = arith.muli %scan3A_302, %mul3A_303 : i32
      %swap3A_305 = arith.index_cast %mul3A_304 : i32 to index
      %swap3A_306 = tpu.vector_load %arg8[%swap3A_305] {strides = array<i32>} : memref<20000xf32, #tpu.memory_space<vmem>>, vector<16xf32>,
      %swap3A_307 = vector.shape_cast %swap3A_306 : vector<16xf32> to vector<16xf32>
      %swap3A_308 = vector.shape_cast %broadcast_in_dim3A_14 : vector<16xf32> to vector<16xf32>
      tpu.vector_store %arg8[%swap3A_305], %swap3A_308 {strides = array<i32>} : memref<20000xf32, #tpu.memory_space<vmem>>, vector<16xf32>,
    }
    %scan3A_19 = arith.constant 1248 : i32
    %scan3A_20 = arith.addi %scan3A_15, %scan3A_19 : i32
    %mul3A_21 = arith.constant 16 : i32
    %mul3A_22 = arith.muli %scan3A_20, %mul3A_21 : i32
    %swap3A = arith.index_cast %mul3A_22 : i32 to index
    %swap3A_23 = tpu.vector_load %arg8[%swap3A] {strides = array<i32>} : memref<20000xf32, #tpu.memory_space<vmem>>, vector<16xf32>,
    %swap3A_24 = vector.shape_cast %swap3A_23 : vector<16xf32> to vector<16xf32>
    %swap3A_25 = vector.shape_cast %broadcast_in_dim3A_14 : vector<16xf32> to vector<16xf32>
    tpu.vector_store %arg8[%swap3A], %swap3A_25 {strides = array<i32>} : memref<20000xf32, #tpu.memory_space<vmem>>, vector<16xf32>,
    %scan3A_26 = arith.constant 1249 : i32
    %scan3A_27 = arith.addi %scan3A_15, %scan3A_26 : i32
    %mul3A_28 = arith.constant 16 : i32
    %mul3A_29 = arith.muli %scan3A_27, %mul3A_28 : i32
    %swap3A_30 = arith.index_cast %mul3A_29 : i32 to index
    %swap3A_31 = tpu.vector_load %arg8[%swap3A_30] {strides = array<i32>} : memref<20000xf32, #tpu.memory_space<vmem>>, vector<16xf32>,
    %swap3A_32 = vector.shape_cast %swap3A_31 : vector<16xf32> to vector<16xf32>
    %swap3A_33 = vector.shape_cast %broadcast_in_dim3A_14 : vector<16xf32> to vector<16xf32>
    tpu.vector_store %arg8[%swap3A_30], %swap3A_33 {strides = array<i32>} : memref<20000xf32, #tpu.memory_space<vmem>>, vector<16xf32>,
    %scan3A_34 = arith.constant 1250 : i32
    %add3A_35 = arith.constant 0 : i32
    %add3A_36 = arith.addi %add3A_6, %add3A_35 : i32
    %dma_start3A_37 = tpu.memref_slice %arg3[%add3A_36] : memref<12800000xf32, #tpu.memory_space<hbm>> -> memref<20000xf32, #tpu.memory_space<hbm>>
    %dma_start3A_38 = tpu.memref_slice %arg3[%add3A_36] : memref<12800000xf32, #tpu.memory_space<hbm>> -> memref<20000xf32, #tpu.memory_space<hbm>>
    tpu.enqueue_dma source(%arg8 : memref<20000xf32, #tpu.memory_space<vmem>>) target(%dma_start3A_38 : memref<20000xf32, #tpu.memory_space<hbm>>) target_semaphore(%arg11 : memref<!tpu.dma_semaphore, #tpu.memory_space<semaphore_mem>>)
    %add3A_39 = arith.constant 20000 : i32
    %add3A_40 = arith.addi %add3A_6, %add3A_39 : i32
    %dma_start3A_41 = tpu.memref_slice %arg3[%add3A_40] : memref<12800000xf32, #tpu.memory_space<hbm>> -> memref<20000xf32, #tpu.memory_space<hbm>>
    %dma_start3A_42 = tpu.memref_slice %arg3[%add3A_40] : memref<12800000xf32, #tpu.memory_space<hbm>> -> memref<20000xf32, #tpu.memory_space<hbm>>
    tpu.enqueue_dma source(%arg8 : memref<20000xf32, #tpu.memory_space<vmem>>) target(%dma_start3A_42 : memref<20000xf32, #tpu.memory_space<hbm>>) target_semaphore(%arg11 : memref<!tpu.dma_semaphore, #tpu.memory_space<semaphore_mem>>)
    %add3A_43 = arith.constant 40000 : i32
    %add3A_44 = arith.addi %add3A_6, %add3A_43 : i32
    %dma_start3A_45 = tpu.memref_slice %arg3[%add3A_44] : memref<12800000xf32, #tpu.memory_space<hbm>> -> memref<20000xf32, #tpu.memory_space<hbm>>
    %dma_start3A_46 = tpu.memref_slice %arg3[%add3A_44] : memref<12800000xf32, #tpu.memory_space<hbm>> -> memref<20000xf32, #tpu.memory_space<hbm>>
    tpu.enqueue_dma source(%arg8 : memref<20000xf32, #tpu.memory_space<vmem>>) target(%dma_start3A_46 : memref<20000xf32, #tpu.memory_space<hbm>>) target_semaphore(%arg11 : memref<!tpu.dma_semaphore, #tpu.memory_space<semaphore_mem>>)
    %add3A_47 = arith.constant 60000 : i32
    %add3A_48 = arith.addi %add3A_6, %add3A_47 : i32
    %dma_start3A_49 = tpu.memref_slice %arg3[%add3A_48] : memref<12800000xf32, #tpu.memory_space<hbm>> -> memref<20000xf32, #tpu.memory_space<hbm>>
    %dma_start3A_50 = tpu.memref_slice %arg3[%add3A_48] : memref<12800000xf32, #tpu.memory_space<hbm>> -> memref<20000xf32, #tpu.memory_space<hbm>>
    tpu.enqueue_dma source(%arg8 : memref<20000xf32, #tpu.memory_space<vmem>>) target(%dma_start3A_50 : memref<20000xf32, #tpu.memory_space<hbm>>) target_semaphore(%arg11 : memref<!tpu.dma_semaphore, #tpu.memory_space<semaphore_mem>>)
    %add3A_51 = arith.constant 80000 : i32
    %add3A_52 = arith.addi %add3A_6, %add3A_51 : i32
    %dma_start3A_53 = tpu.memref_slice %arg3[%add3A_52] : memref<12800000xf32, #tpu.memory_space<hbm>> -> memref<20000xf32, #tpu.memory_space<hbm>>
    %dma_start3A_54 = tpu.memref_slice %arg3[%add3A_52] : memref<12800000xf32, #tpu.memory_space<hbm>> -> memref<20000xf32, #tpu.memory_space<hbm>>
    tpu.enqueue_dma source(%arg8 : memref<20000xf32, #tpu.memory_space<vmem>>) target(%dma_start3A_54 : memref<20000xf32, #tpu.memory_space<hbm>>) target_semaphore(%arg11 : memref<!tpu.dma_semaphore, #tpu.memory_space<semaphore_mem>>)
    %add3A_55 = arith.constant 100000 : i32
    %add3A_56 = arith.addi %add3A_6, %add3A_55 : i32
    %dma_start3A_57 = tpu.memref_slice %arg3[%add3A_56] : memref<12800000xf32, #tpu.memory_space<hbm>> -> memref<20000xf32, #tpu.memory_space<hbm>>
    %dma_start3A_58 = tpu.memref_slice %arg3[%add3A_56] : memref<12800000xf32, #tpu.memory_space<hbm>> -> memref<20000xf32, #tpu.memory_space<hbm>>
    tpu.enqueue_dma source(%arg8 : memref<20000xf32, #tpu.memory_space<vmem>>) target(%dma_start3A_58 : memref<20000xf32, #tpu.memory_space<hbm>>) target_semaphore(%arg11 : memref<!tpu.dma_semaphore, #tpu.memory_space<semaphore_mem>>)
    %add3A_59 = arith.constant 120000 : i32
    %add3A_60 = arith.addi %add3A_6, %add3A_59 : i32
    %dma_start3A_61 = tpu.memref_slice %arg3[%add3A_60] : memref<12800000xf32, #tpu.memory_space<hbm>> -> memref<20000xf32, #tpu.memory_space<hbm>>
    %dma_start3A_62 = tpu.memref_slice %arg3[%add3A_60] : memref<12800000xf32, #tpu.memory_space<hbm>> -> memref<20000xf32, #tpu.memory_space<hbm>>
    tpu.enqueue_dma source(%arg8 : memref<20000xf32, #tpu.memory_space<vmem>>) target(%dma_start3A_62 : memref<20000xf32, #tpu.memory_space<hbm>>) target_semaphore(%arg11 : memref<!tpu.dma_semaphore, #tpu.memory_space<semaphore_mem>>)
    %add3A_63 = arith.constant 140000 : i32
    %add3A_64 = arith.addi %add3A_6, %add3A_63 : i32
    %dma_start3A_65 = tpu.memref_slice %arg3[%add3A_64] : memref<12800000xf32, #tpu.memory_space<hbm>> -> memref<20000xf32, #tpu.memory_space<hbm>>
    %dma_start3A_66 = tpu.memref_slice %arg3[%add3A_64] : memref<12800000xf32, #tpu.memory_space<hbm>> -> memref<20000xf32, #tpu.memory_space<hbm>>
    tpu.enqueue_dma source(%arg8 : memref<20000xf32, #tpu.memory_space<vmem>>) target(%dma_start3A_66 : memref<20000xf32, #tpu.memory_space<hbm>>) target_semaphore(%arg11 : memref<!tpu.dma_semaphore, #tpu.memory_space<semaphore_mem>>)
    %add3A_67 = arith.constant 160000 : i32
    %add3A_68 = arith.addi %add3A_6, %add3A_67 : i32
    %dma_start3A_69 = tpu.memref_slice %arg3[%add3A_68] : memref<12800000xf32, #tpu.memory_space<hbm>> -> memref<20000xf32, #tpu.memory_space<hbm>>
    %dma_start3A_70 = tpu.memref_slice %arg3[%add3A_68] : memref<12800000xf32, #tpu.memory_space<hbm>> -> memref<20000xf32, #tpu.memory_space<hbm>>
    tpu.enqueue_dma source(%arg8 : memref<20000xf32, #tpu.memory_space<vmem>>) target(%dma_start3A_70 : memref<20000xf32, #tpu.memory_space<hbm>>) target_semaphore(%arg11 : memref<!tpu.dma_semaphore, #tpu.memory_space<semaphore_mem>>)
    %add3A_71 = arith.constant 180000 : i32
    %add3A_72 = arith.addi %add3A_6, %add3A_71 : i32
    %dma_start3A_73 = tpu.memref_slice %arg3[%add3A_72] : memref<12800000xf32, #tpu.memory_space<hbm>> -> memref<20000xf32, #tpu.memory_space<hbm>>
    %dma_start3A_74 = tpu.memref_slice %arg3[%add3A_72] : memref<12800000xf32, #tpu.memory_space<hbm>> -> memref<20000xf32, #tpu.memory_space<hbm>>
    tpu.enqueue_dma source(%arg8 : memref<20000xf32, #tpu.memory_space<vmem>>) target(%dma_start3A_74 : memref<20000xf32, #tpu.memory_space<hbm>>) target_semaphore(%arg11 : memref<!tpu.dma_semaphore, #tpu.memory_space<semaphore_mem>>)
    %add3A_75 = arith.constant 50000 : i32
    %add3A_76 = arith.addi %mul3A_2, %add3A_75 : i32
    %dma_start3A_77 = tpu.memref_slice %arg2[%add3A_76] : memref<6400000xf32, #tpu.memory_space<hbm>> -> memref<25000xf32, #tpu.memory_space<hbm>>
    %dma_start3A_78 = tpu.memref_slice %arg2[%add3A_76] : memref<6400000xf32, #tpu.memory_space<hbm>> -> memref<25000xf32, #tpu.memory_space<hbm>>
    tpu.enqueue_dma source(%dma_start3A_78 : memref<25000xf32, #tpu.memory_space<hbm>>) target(%arg6 : memref<25000xf32, #tpu.memory_space<vmem>>) target_semaphore(%arg9 : memref<!tpu.dma_semaphore, #tpu.memory_space<semaphore_mem>>)
    %dma_wait3A = tpu.memref_slice %arg2[%add3A_8] : memref<6400000xf32, #tpu.memory_space<hbm>> -> memref<25000xf32, #tpu.memory_space<hbm>>
    %dma_wait3A_79 = tpu.memref_slice %arg2[%add3A_8] : memref<6400000xf32, #tpu.memory_space<hbm>> -> memref<25000xf32, #tpu.memory_space<hbm>>
    tpu.wait_dma2 semaphore(%arg9 : memref<!tpu.dma_semaphore, #tpu.memory_space<semaphore_mem>>) src(%dma_wait3A_79 : memref<25000xf32, #tpu.memory_space<hbm>>) dst(%arg4 : memref<25000xf32, #tpu.memory_space<vmem>>)
    %add3A_80 = arith.constant 0 : i32
    %add3A_81 = arith.addi %mul3A_2, %add3A_80 : i32
    %dma_start3A_82 = tpu.memref_slice %arg3[%add3A_81] : memref<12800000xf32, #tpu.memory_space<hbm>> -> memref<25000xf32, #tpu.memory_space<hbm>>
    %dma_start3A_83 = tpu.memref_slice %arg3[%add3A_81] : memref<12800000xf32, #tpu.memory_space<hbm>> -> memref<25000xf32, #tpu.memory_space<hbm>>
    tpu.enqueue_dma source(%arg4 : memref<25000xf32, #tpu.memory_space<vmem>>) target(%dma_start3A_83 : memref<25000xf32, #tpu.memory_space<hbm>>) target_semaphore(%arg10 : memref<!tpu.dma_semaphore, #tpu.memory_space<semaphore_mem>>)
    %add3A_84 = arith.constant 75000 : i32
    %add3A_85 = arith.addi %mul3A_2, %add3A_84 : i32
    %dma_start3A_86 = tpu.memref_slice %arg2[%add3A_85] : memref<6400000xf32, #tpu.memory_space<hbm>> -> memref<25000xf32, #tpu.memory_space<hbm>>
    %dma_start3A_87 = tpu.memref_slice %arg2[%add3A_85] : memref<6400000xf32, #tpu.memory_space<hbm>> -> memref<25000xf32, #tpu.memory_space<hbm>>
    tpu.enqueue_dma source(%dma_start3A_87 : memref<25000xf32, #tpu.memory_space<hbm>>) target(%arg7 : memref<25000xf32, #tpu.memory_space<vmem>>) target_semaphore(%arg9 : memref<!tpu.dma_semaphore, #tpu.memory_space<semaphore_mem>>)
    %dma_wait3A_88 = tpu.memref_slice %arg2[%add3A_11] : memref<6400000xf32, #tpu.memory_space<hbm>> -> memref<25000xf32, #tpu.memory_space<hbm>>
    %dma_wait3A_89 = tpu.memref_slice %arg2[%add3A_11] : memref<6400000xf32, #tpu.memory_space<hbm>> -> memref<25000xf32, #tpu.memory_space<hbm>>
    tpu.wait_dma2 semaphore(%arg9 : memref<!tpu.dma_semaphore, #tpu.memory_space<semaphore_mem>>) src(%dma_wait3A_89 : memref<25000xf32, #tpu.memory_space<hbm>>) dst(%arg5 : memref<25000xf32, #tpu.memory_space<vmem>>)
    %add3A_90 = arith.constant 25000 : i32
    %add3A_91 = arith.addi %mul3A_2, %add3A_90 : i32
    %dma_start3A_92 = tpu.memref_slice %arg3[%add3A_91] : memref<12800000xf32, #tpu.memory_space<hbm>> -> memref<25000xf32, #tpu.memory_space<hbm>>
    %dma_start3A_93 = tpu.memref_slice %arg3[%add3A_91] : memref<12800000xf32, #tpu.memory_space<hbm>> -> memref<25000xf32, #tpu.memory_space<hbm>>
    tpu.enqueue_dma source(%arg5 : memref<25000xf32, #tpu.memory_space<vmem>>) target(%dma_start3A_93 : memref<25000xf32, #tpu.memory_space<hbm>>) target_semaphore(%arg10 : memref<!tpu.dma_semaphore, #tpu.memory_space<semaphore_mem>>)
    %dma_wait3A_94 = tpu.memref_slice %arg3[%add3A_81] : memref<12800000xf32, #tpu.memory_space<hbm>> -> memref<25000xf32, #tpu.memory_space<hbm>>
    %dma_wait3A_95 = tpu.memref_slice %arg3[%add3A_81] : memref<12800000xf32, #tpu.memory_space<hbm>> -> memref<25000xf32, #tpu.memory_space<hbm>>
    tpu.wait_dma2 semaphore(%arg10 : memref<!tpu.dma_semaphore, #tpu.memory_space<semaphore_mem>>) src(%arg4 : memref<25000xf32, #tpu.memory_space<vmem>>) dst(%dma_wait3A_95 : memref<25000xf32, #tpu.memory_space<hbm>>)
    %add3A_96 = arith.constant 100000 : i32
    %add3A_97 = arith.addi %mul3A_2, %add3A_96 : i32
    %dma_start3A_98 = tpu.memref_slice %arg2[%add3A_97] : memref<6400000xf32, #tpu.memory_space<hbm>> -> memref<25000xf32, #tpu.memory_space<hbm>>
    %dma_start3A_99 = tpu.memref_slice %arg2[%add3A_97] : memref<6400000xf32, #tpu.memory_space<hbm>> -> memref<25000xf32, #tpu.memory_space<hbm>>
    tpu.enqueue_dma source(%dma_start3A_99 : memref<25000xf32, #tpu.memory_space<hbm>>) target(%arg4 : memref<25000xf32, #tpu.memory_space<vmem>>) target_semaphore(%arg9 : memref<!tpu.dma_semaphore, #tpu.memory_space<semaphore_mem>>)
    %dma_wait3A_100 = tpu.memref_slice %arg2[%add3A_76] : memref<6400000xf32, #tpu.memory_space<hbm>> -> memref<25000xf32, #tpu.memory_space<hbm>>
    %dma_wait3A_101 = tpu.memref_slice %arg2[%add3A_76] : memref<6400000xf32, #tpu.memory_space<hbm>> -> memref<25000xf32, #tpu.memory_space<hbm>>
    tpu.wait_dma2 semaphore(%arg9 : memref<!tpu.dma_semaphore, #tpu.memory_space<semaphore_mem>>) src(%dma_wait3A_101 : memref<25000xf32, #tpu.memory_space<hbm>>) dst(%arg6 : memref<25000xf32, #tpu.memory_space<vmem>>)
    %add3A_102 = arith.constant 50000 : i32
    %add3A_103 = arith.addi %mul3A_2, %add3A_102 : i32
    %dma_start3A_104 = tpu.memref_slice %arg3[%add3A_103] : memref<12800000xf32, #tpu.memory_space<hbm>> -> memref<25000xf32, #tpu.memory_space<hbm>>
    %dma_start3A_105 = tpu.memref_slice %arg3[%add3A_103] : memref<12800000xf32, #tpu.memory_space<hbm>> -> memref<25000xf32, #tpu.memory_space<hbm>>
    tpu.enqueue_dma source(%arg6 : memref<25000xf32, #tpu.memory_space<vmem>>) target(%dma_start3A_105 : memref<25000xf32, #tpu.memory_space<hbm>>) target_semaphore(%arg10 : memref<!tpu.dma_semaphore, #tpu.memory_space<semaphore_mem>>)
    %dma_wait3A_106 = tpu.memref_slice %arg3[%add3A_91] : memref<12800000xf32, #tpu.memory_space<hbm>> -> memref<25000xf32, #tpu.memory_space<hbm>>
    %dma_wait3A_107 = tpu.memref_slice %arg3[%add3A_91] : memref<12800000xf32, #tpu.memory_space<hbm>> -> memref<25000xf32, #tpu.memory_space<hbm>>
    tpu.wait_dma2 semaphore(%arg10 : memref<!tpu.dma_semaphore, #tpu.memory_space<semaphore_mem>>) src(%arg5 : memref<25000xf32, #tpu.memory_space<vmem>>) dst(%dma_wait3A_107 : memref<25000xf32, #tpu.memory_space<hbm>>)
    %add3A_108 = arith.constant 125000 : i32
    %add3A_109 = arith.addi %mul3A_2, %add3A_108 : i32
    %dma_start3A_110 = tpu.memref_slice %arg2[%add3A_109] : memref<6400000xf32, #tpu.memory_space<hbm>> -> memref<25000xf32, #tpu.memory_space<hbm>>
    %dma_start3A_111 = tpu.memref_slice %arg2[%add3A_109] : memref<6400000xf32, #tpu.memory_space<hbm>> -> memref<25000xf32, #tpu.memory_space<hbm>>
    tpu.enqueue_dma source(%dma_start3A_111 : memref<25000xf32, #tpu.memory_space<hbm>>) target(%arg5 : memref<25000xf32, #tpu.memory_space<vmem>>) target_semaphore(%arg9 : memref<!tpu.dma_semaphore, #tpu.memory_space<semaphore_mem>>)
    %dma_wait3A_112 = tpu.memref_slice %arg2[%add3A_85] : memref<6400000xf32, #tpu.memory_space<hbm>> -> memref<25000xf32, #tpu.memory_space<hbm>>
    %dma_wait3A_113 = tpu.memref_slice %arg2[%add3A_85] : memref<6400000xf32, #tpu.memory_space<hbm>> -> memref<25000xf32, #tpu.memory_space<hbm>>
    tpu.wait_dma2 semaphore(%arg9 : memref<!tpu.dma_semaphore, #tpu.memory_space<semaphore_mem>>) src(%dma_wait3A_113 : memref<25000xf32, #tpu.memory_space<hbm>>) dst(%arg7 : memref<25000xf32, #tpu.memory_space<vmem>>)
    %add3A_114 = arith.constant 75000 : i32
    %add3A_115 = arith.addi %mul3A_2, %add3A_114 : i32
    %dma_start3A_116 = tpu.memref_slice %arg3[%add3A_115] : memref<12800000xf32, #tpu.memory_space<hbm>> -> memref<25000xf32, #tpu.memory_space<hbm>>
    %dma_start3A_117 = tpu.memref_slice %arg3[%add3A_115] : memref<12800000xf32, #tpu.memory_space<hbm>> -> memref<25000xf32, #tpu.memory_space<hbm>>
    tpu.enqueue_dma source(%arg7 : memref<25000xf32, #tpu.memory_space<vmem>>) target(%dma_start3A_117 : memref<25000xf32, #tpu.memory_space<hbm>>) target_semaphore(%arg10 : memref<!tpu.dma_semaphore, #tpu.memory_space<semaphore_mem>>)
    %dma_wait3A_118 = tpu.memref_slice %arg3[%add3A_103] : memref<12800000xf32, #tpu.memory_space<hbm>> -> memref<25000xf32, #tpu.memory_space<hbm>>
    %dma_wait3A_119 = tpu.memref_slice %arg3[%add3A_103] : memref<12800000xf32, #tpu.memory_space<hbm>> -> memref<25000xf32, #tpu.memory_space<hbm>>
    tpu.wait_dma2 semaphore(%arg10 : memref<!tpu.dma_semaphore, #tpu.memory_space<semaphore_mem>>) src(%arg6 : memref<25000xf32, #tpu.memory_space<vmem>>) dst(%dma_wait3A_119 : memref<25000xf32, #tpu.memory_space<hbm>>)
    %add3A_120 = arith.constant 150000 : i32
    %add3A_121 = arith.addi %mul3A_2, %add3A_120 : i32
    %dma_start3A_122 = tpu.memref_slice %arg2[%add3A_121] : memref<6400000xf32, #tpu.memory_space<hbm>> -> memref<25000xf32, #tpu.memory_space<hbm>>
    %dma_start3A_123 = tpu.memref_slice %arg2[%add3A_121] : memref<6400000xf32, #tpu.memory_space<hbm>> -> memref<25000xf32, #tpu.memory_space<hbm>>
    tpu.enqueue_dma source(%dma_start3A_123 : memref<25000xf32, #tpu.memory_space<hbm>>) target(%arg6 : memref<25000xf32, #tpu.memory_space<vmem>>) target_semaphore(%arg9 : memref<!tpu.dma_semaphore, #tpu.memory_space<semaphore_mem>>)
    %dma_wait3A_124 = tpu.memref_slice %arg2[%add3A_97] : memref<6400000xf32, #tpu.memory_space<hbm>> -> memref<25000xf32, #tpu.memory_space<hbm>>
    %dma_wait3A_125 = tpu.memref_slice %arg2[%add3A_97] : memref<6400000xf32, #tpu.memory_space<hbm>> -> memref<25000xf32, #tpu.memory_space<hbm>>
    tpu.wait_dma2 semaphore(%arg9 : memref<!tpu.dma_semaphore, #tpu.memory_space<semaphore_mem>>) src(%dma_wait3A_125 : memref<25000xf32, #tpu.memory_space<hbm>>) dst(%arg4 : memref<25000xf32, #tpu.memory_space<vmem>>)
    %add3A_126 = arith.constant 100000 : i32
    %add3A_127 = arith.addi %mul3A_2, %add3A_126 : i32
    %dma_start3A_128 = tpu.memref_slice %arg3[%add3A_127] : memref<12800000xf32, #tpu.memory_space<hbm>> -> memref<25000xf32, #tpu.memory_space<hbm>>
    %dma_start3A_129 = tpu.memref_slice %arg3[%add3A_127] : memref<12800000xf32, #tpu.memory_space<hbm>> -> memref<25000xf32, #tpu.memory_space<hbm>>
    tpu.enqueue_dma source(%arg4 : memref<25000xf32, #tpu.memory_space<vmem>>) target(%dma_start3A_129 : memref<25000xf32, #tpu.memory_space<hbm>>) target_semaphore(%arg10 : memref<!tpu.dma_semaphore, #tpu.memory_space<semaphore_mem>>)
    %dma_wait3A_130 = tpu.memref_slice %arg3[%add3A_115] : memref<12800000xf32, #tpu.memory_space<hbm>> -> memref<25000xf32, #tpu.memory_space<hbm>>
    %dma_wait3A_131 = tpu.memref_slice %arg3[%add3A_115] : memref<12800000xf32, #tpu.memory_space<hbm>> -> memref<25000xf32, #tpu.memory_space<hbm>>
    tpu.wait_dma2 semaphore(%arg10 : memref<!tpu.dma_semaphore, #tpu.memory_space<semaphore_mem>>) src(%arg7 : memref<25000xf32, #tpu.memory_space<vmem>>) dst(%dma_wait3A_131 : memref<25000xf32, #tpu.memory_space<hbm>>)
    %add3A_132 = arith.constant 175000 : i32
    %add3A_133 = arith.addi %mul3A_2, %add3A_132 : i32
    %dma_start3A_134 = tpu.memref_slice %arg2[%add3A_133] : memref<6400000xf32, #tpu.memory_space<hbm>> -> memref<25000xf32, #tpu.memory_space<hbm>>
    %dma_start3A_135 = tpu.memref_slice %arg2[%add3A_133] : memref<6400000xf32, #tpu.memory_space<hbm>> -> memref<25000xf32, #tpu.memory_space<hbm>>
    tpu.enqueue_dma source(%dma_start3A_135 : memref<25000xf32, #tpu.memory_space<hbm>>) target(%arg7 : memref<25000xf32, #tpu.memory_space<vmem>>) target_semaphore(%arg9 : memref<!tpu.dma_semaphore, #tpu.memory_space<semaphore_mem>>)
    %dma_wait3A_136 = tpu.memref_slice %arg2[%add3A_109] : memref<6400000xf32, #tpu.memory_space<hbm>> -> memref<25000xf32, #tpu.memory_space<hbm>>
    %dma_wait3A_137 = tpu.memref_slice %arg2[%add3A_109] : memref<6400000xf32, #tpu.memory_space<hbm>> -> memref<25000xf32, #tpu.memory_space<hbm>>
    tpu.wait_dma2 semaphore(%arg9 : memref<!tpu.dma_semaphore, #tpu.memory_space<semaphore_mem>>) src(%dma_wait3A_137 : memref<25000xf32, #tpu.memory_space<hbm>>) dst(%arg5 : memref<25000xf32, #tpu.memory_space<vmem>>)
    %add3A_138 = arith.constant 125000 : i32
    %add3A_139 = arith.addi %mul3A_2, %add3A_138 : i32
    %dma_start3A_140 = tpu.memref_slice %arg3[%add3A_139] : memref<12800000xf32, #tpu.memory_space<hbm>> -> memref<25000xf32, #tpu.memory_space<hbm>>
    %dma_start3A_141 = tpu.memref_slice %arg3[%add3A_139] : memref<12800000xf32, #tpu.memory_space<hbm>> -> memref<25000xf32, #tpu.memory_space<hbm>>
    tpu.enqueue_dma source(%arg5 : memref<25000xf32, #tpu.memory_space<vmem>>) target(%dma_start3A_141 : memref<25000xf32, #tpu.memory_space<hbm>>) target_semaphore(%arg10 : memref<!tpu.dma_semaphore, #tpu.memory_space<semaphore_mem>>)
    %dma_wait3A_142 = tpu.memref_slice %arg2[%add3A_121] : memref<6400000xf32, #tpu.memory_space<hbm>> -> memref<25000xf32, #tpu.memory_space<hbm>>
    %dma_wait3A_143 = tpu.memref_slice %arg2[%add3A_121] : memref<6400000xf32, #tpu.memory_space<hbm>> -> memref<25000xf32, #tpu.memory_space<hbm>>
    tpu.wait_dma2 semaphore(%arg9 : memref<!tpu.dma_semaphore, #tpu.memory_space<semaphore_mem>>) src(%dma_wait3A_143 : memref<25000xf32, #tpu.memory_space<hbm>>) dst(%arg6 : memref<25000xf32, #tpu.memory_space<vmem>>)
    %add3A_144 = arith.constant 150000 : i32
    %add3A_145 = arith.addi %mul3A_2, %add3A_144 : i32
    %dma_start3A_146 = tpu.memref_slice %arg3[%add3A_145] : memref<12800000xf32, #tpu.memory_space<hbm>> -> memref<25000xf32, #tpu.memory_space<hbm>>
    %dma_start3A_147 = tpu.memref_slice %arg3[%add3A_145] : memref<12800000xf32, #tpu.memory_space<hbm>> -> memref<25000xf32, #tpu.memory_space<hbm>>
    tpu.enqueue_dma source(%arg6 : memref<25000xf32, #tpu.memory_space<vmem>>) target(%dma_start3A_147 : memref<25000xf32, #tpu.memory_space<hbm>>) target_semaphore(%arg10 : memref<!tpu.dma_semaphore, #tpu.memory_space<semaphore_mem>>)
    %dma_wait3A_148 = tpu.memref_slice %arg2[%add3A_133] : memref<6400000xf32, #tpu.memory_space<hbm>> -> memref<25000xf32, #tpu.memory_space<hbm>>
    %dma_wait3A_149 = tpu.memref_slice %arg2[%add3A_133] : memref<6400000xf32, #tpu.memory_space<hbm>> -> memref<25000xf32, #tpu.memory_space<hbm>>
    tpu.wait_dma2 semaphore(%arg9 : memref<!tpu.dma_semaphore, #tpu.memory_space<semaphore_mem>>) src(%dma_wait3A_149 : memref<25000xf32, #tpu.memory_space<hbm>>) dst(%arg7 : memref<25000xf32, #tpu.memory_space<vmem>>)
    %add3A_150 = arith.constant 175000 : i32
    %add3A_151 = arith.addi %mul3A_2, %add3A_150 : i32
    %dma_start3A_152 = tpu.memref_slice %arg3[%add3A_151] : memref<12800000xf32, #tpu.memory_space<hbm>> -> memref<25000xf32, #tpu.memory_space<hbm>>
    %dma_start3A_153 = tpu.memref_slice %arg3[%add3A_151] : memref<12800000xf32, #tpu.memory_space<hbm>> -> memref<25000xf32, #tpu.memory_space<hbm>>
    tpu.enqueue_dma source(%arg7 : memref<25000xf32, #tpu.memory_space<vmem>>) target(%dma_start3A_153 : memref<25000xf32, #tpu.memory_space<hbm>>) target_semaphore(%arg10 : memref<!tpu.dma_semaphore, #tpu.memory_space<semaphore_mem>>)
    %dma_wait3A_154 = tpu.memref_slice %arg3[%add3A_127] : memref<12800000xf32, #tpu.memory_space<hbm>> -> memref<25000xf32, #tpu.memory_space<hbm>>
    %dma_wait3A_155 = tpu.memref_slice %arg3[%add3A_127] : memref<12800000xf32, #tpu.memory_space<hbm>> -> memref<25000xf32, #tpu.memory_space<hbm>>
    tpu.wait_dma2 semaphore(%arg10 : memref<!tpu.dma_semaphore, #tpu.memory_space<semaphore_mem>>) src(%arg4 : memref<25000xf32, #tpu.memory_space<vmem>>) dst(%dma_wait3A_155 : memref<25000xf32, #tpu.memory_space<hbm>>)
    %dma_wait3A_156 = tpu.memref_slice %arg3[%add3A_139] : memref<12800000xf32, #tpu.memory_space<hbm>> -> memref<25000xf32, #tpu.memory_space<hbm>>
    %dma_wait3A_157 = tpu.memref_slice %arg3[%add3A_139] : memref<12800000xf32, #tpu.memory_space<hbm>> -> memref<25000xf32, #tpu.memory_space<hbm>>
    tpu.wait_dma2 semaphore(%arg10 : memref<!tpu.dma_semaphore, #tpu.memory_space<semaphore_mem>>) src(%arg5 : memref<25000xf32, #tpu.memory_space<vmem>>) dst(%dma_wait3A_157 : memref<25000xf32, #tpu.memory_space<hbm>>)
    %dma_wait3A_158 = tpu.memref_slice %arg3[%add3A_145] : memref<12800000xf32, #tpu.memory_space<hbm>> -> memref<25000xf32, #tpu.memory_space<hbm>>
    %dma_wait3A_159 = tpu.memref_slice %arg3[%add3A_145] : memref<12800000xf32, #tpu.memory_space<hbm>> -> memref<25000xf32, #tpu.memory_space<hbm>>
    tpu.wait_dma2 semaphore(%arg10 : memref<!tpu.dma_semaphore, #tpu.memory_space<semaphore_mem>>) src(%arg6 : memref<25000xf32, #tpu.memory_space<vmem>>) dst(%dma_wait3A_159 : memref<25000xf32, #tpu.memory_space<hbm>>)
    %dma_wait3A_160 = tpu.memref_slice %arg3[%add3A_151] : memref<12800000xf32, #tpu.memory_space<hbm>> -> memref<25000xf32, #tpu.memory_space<hbm>>
    %dma_wait3A_161 = tpu.memref_slice %arg3[%add3A_151] : memref<12800000xf32, #tpu.memory_space<hbm>> -> memref<25000xf32, #tpu.memory_space<hbm>>
    tpu.wait_dma2 semaphore(%arg10 : memref<!tpu.dma_semaphore, #tpu.memory_space<semaphore_mem>>) src(%arg7 : memref<25000xf32, #tpu.memory_space<vmem>>) dst(%dma_wait3A_161 : memref<25000xf32, #tpu.memory_space<hbm>>)
    %dma_wait3A_162 = tpu.memref_slice %arg3[%add3A_36] : memref<12800000xf32, #tpu.memory_space<hbm>> -> memref<20000xf32, #tpu.memory_space<hbm>>
    %dma_wait3A_163 = tpu.memref_slice %arg3[%add3A_36] : memref<12800000xf32, #tpu.memory_space<hbm>> -> memref<20000xf32, #tpu.memory_space<hbm>>
    tpu.wait_dma2 semaphore(%arg11 : memref<!tpu.dma_semaphore, #tpu.memory_space<semaphore_mem>>) src(%arg8 : memref<20000xf32, #tpu.memory_space<vmem>>) dst(%dma_wait3A_163 : memref<20000xf32, #tpu.memory_space<hbm>>)
    %dma_wait3A_164 = tpu.memref_slice %arg3[%add3A_40] : memref<12800000xf32, #tpu.memory_space<hbm>> -> memref<20000xf32, #tpu.memory_space<hbm>>
    %dma_wait3A_165 = tpu.memref_slice %arg3[%add3A_40] : memref<12800000xf32, #tpu.memory_space<hbm>> -> memref<20000xf32, #tpu.memory_space<hbm>>
    tpu.wait_dma2 semaphore(%arg11 : memref<!tpu.dma_semaphore, #tpu.memory_space<semaphore_mem>>) src(%arg8 : memref<20000xf32, #tpu.memory_space<vmem>>) dst(%dma_wait3A_165 : memref<20000xf32, #tpu.memory_space<hbm>>)
    %dma_wait3A_166 = tpu.memref_slice %arg3[%add3A_44] : memref<12800000xf32, #tpu.memory_space<hbm>> -> memref<20000xf32, #tpu.memory_space<hbm>>
    %dma_wait3A_167 = tpu.memref_slice %arg3[%add3A_44] : memref<12800000xf32, #tpu.memory_space<hbm>> -> memref<20000xf32, #tpu.memory_space<hbm>>
    tpu.wait_dma2 semaphore(%arg11 : memref<!tpu.dma_semaphore, #tpu.memory_space<semaphore_mem>>) src(%arg8 : memref<20000xf32, #tpu.memory_space<vmem>>) dst(%dma_wait3A_167 : memref<20000xf32, #tpu.memory_space<hbm>>)
    %dma_wait3A_168 = tpu.memref_slice %arg3[%add3A_48] : memref<12800000xf32, #tpu.memory_space<hbm>> -> memref<20000xf32, #tpu.memory_space<hbm>>
    %dma_wait3A_169 = tpu.memref_slice %arg3[%add3A_48] : memref<12800000xf32, #tpu.memory_space<hbm>> -> memref<20000xf32, #tpu.memory_space<hbm>>
    tpu.wait_dma2 semaphore(%arg11 : memref<!tpu.dma_semaphore, #tpu.memory_space<semaphore_mem>>) src(%arg8 : memref<20000xf32, #tpu.memory_space<vmem>>) dst(%dma_wait3A_169 : memref<20000xf32, #tpu.memory_space<hbm>>)
    %dma_wait3A_170 = tpu.memref_slice %arg3[%add3A_52] : memref<12800000xf32, #tpu.memory_space<hbm>> -> memref<20000xf32, #tpu.memory_space<hbm>>
    %dma_wait3A_171 = tpu.memref_slice %arg3[%add3A_52] : memref<12800000xf32, #tpu.memory_space<hbm>> -> memref<20000xf32, #tpu.memory_space<hbm>>
    tpu.wait_dma2 semaphore(%arg11 : memref<!tpu.dma_semaphore, #tpu.memory_space<semaphore_mem>>) src(%arg8 : memref<20000xf32, #tpu.memory_space<vmem>>) dst(%dma_wait3A_171 : memref<20000xf32, #tpu.memory_space<hbm>>)
    %dma_wait3A_172 = tpu.memref_slice %arg3[%add3A_56] : memref<12800000xf32, #tpu.memory_space<hbm>> -> memref<20000xf32, #tpu.memory_space<hbm>>
    %dma_wait3A_173 = tpu.memref_slice %arg3[%add3A_56] : memref<12800000xf32, #tpu.memory_space<hbm>> -> memref<20000xf32, #tpu.memory_space<hbm>>
    tpu.wait_dma2 semaphore(%arg11 : memref<!tpu.dma_semaphore, #tpu.memory_space<semaphore_mem>>) src(%arg8 : memref<20000xf32, #tpu.memory_space<vmem>>) dst(%dma_wait3A_173 : memref<20000xf32, #tpu.memory_space<hbm>>)
    %dma_wait3A_174 = tpu.memref_slice %arg3[%add3A_60] : memref<12800000xf32, #tpu.memory_space<hbm>> -> memref<20000xf32, #tpu.memory_space<hbm>>
    %dma_wait3A_175 = tpu.memref_slice %arg3[%add3A_60] : memref<12800000xf32, #tpu.memory_space<hbm>> -> memref<20000xf32, #tpu.memory_space<hbm>>
    tpu.wait_dma2 semaphore(%arg11 : memref<!tpu.dma_semaphore, #tpu.memory_space<semaphore_mem>>) src(%arg8 : memref<20000xf32, #tpu.memory_space<vmem>>) dst(%dma_wait3A_175 : memref<20000xf32, #tpu.memory_space<hbm>>)
    %dma_wait3A_176 = tpu.memref_slice %arg3[%add3A_64] : memref<12800000xf32, #tpu.memory_space<hbm>> -> memref<20000xf32, #tpu.memory_space<hbm>>
    %dma_wait3A_177 = tpu.memref_slice %arg3[%add3A_64] : memref<12800000xf32, #tpu.memory_space<hbm>> -> memref<20000xf32, #tpu.memory_space<hbm>>
    tpu.wait_dma2 semaphore(%arg11 : memref<!tpu.dma_semaphore, #tpu.memory_space<semaphore_mem>>) src(%arg8 : memref<20000xf32, #tpu.memory_space<vmem>>) dst(%dma_wait3A_177 : memref<20000xf32, #tpu.memory_space<hbm>>)
    %dma_wait3A_178 = tpu.memref_slice %arg3[%add3A_68] : memref<12800000xf32, #tpu.memory_space<hbm>> -> memref<20000xf32, #tpu.memory_space<hbm>>
    %dma_wait3A_179 = tpu.memref_slice %arg3[%add3A_68] : memref<12800000xf32, #tpu.memory_space<hbm>> -> memref<20000xf32, #tpu.memory_space<hbm>>
    tpu.wait_dma2 semaphore(%arg11 : memref<!tpu.dma_semaphore, #tpu.memory_space<semaphore_mem>>) src(%arg8 : memref<20000xf32, #tpu.memory_space<vmem>>) dst(%dma_wait3A_179 : memref<20000xf32, #tpu.memory_space<hbm>>)
    %dma_wait3A_180 = tpu.memref_slice %arg3[%add3A_72] : memref<12800000xf32, #tpu.memory_space<hbm>> -> memref<20000xf32, #tpu.memory_space<hbm>>
    %dma_wait3A_181 = tpu.memref_slice %arg3[%add3A_72] : memref<12800000xf32, #tpu.memory_space<hbm>> -> memref<20000xf32, #tpu.memory_space<hbm>>
    tpu.wait_dma2 semaphore(%arg11 : memref<!tpu.dma_semaphore, #tpu.memory_space<semaphore_mem>>) src(%arg8 : memref<20000xf32, #tpu.memory_space<vmem>>) dst(%dma_wait3A_181 : memref<20000xf32, #tpu.memory_space<hbm>>)
    return
  }
}

</mosaic_0001>

<sc_bundles>
// kernel: kernel.3.cloned.1.call-start
scs
__scs_entry_jumppad:
0x0: {  	(pc) =	sbr.rel $0x88, $3  }
0x1: {  	(tag) =	ssettag $0x0;
	lr =	simm.s32 $0x1  }
0x2: {  	[smem:$0x3FA0] =	sst lr;
	_ =	strace $0xD0000000  }
0x3: {  	_ = 	snop  }
0x4: {  	_ = 	snop  }
0x5: {  	_ = 	snop  }
0x6: {  	_ = 	snop  }
0x7: {  	_ = 	snop  }
__scs_overlays_trampoline_lowered:
0x8: {  	[smem:$0x3FAF] =	sst s0  }
0x9: {  	[smem:$0x3FB0] =	sst s1  }
0xa: {  	[smem:$0x3FB1] =	sst s2  }
0xb: {  	[smem:$0x3FB2] =	sst s3  }
0xc: {  	[smem:$0x3FB3] =	sst s4  }
0xd: {  	[smem:$0x3FB4] =	sst s5  }
0xe: {  	[smem:$0x3FB5] =	sst s6  }
0xf: {  	[smem:$0x3FB6] =	sst s7  }
0x10: {  	[smem:$0x3FB7] =	sst s8  }
0x11: {  	[smem:$0x3FB8] =	sst s9;
	s0 =	simm.s32 @!p0 $0x0  }
0x12: {  	s1 =	sld [smem:$0x3F9E];
	s0 =	simm.s32 @p0 $0x1  }
0x13: {  	[smem:$0x3FB9] =	sst s0;
	s0 =	simm.s32 @!p1 $0x0  }
0x14: {  	s2 =	sld [smem:$0x3F9D];
	s0 =	simm.s32 @p1 $0x1  }
0x15: {  	[smem:$0x3FBA] =	sst s0;
	s0 =	simm.s32 @!p2 $0x0  }
0x16: {  	s3 =	sld [smem:$0x3FDB];
	s0 =	simm.s32 @p2 $0x1  }
0x17: {  	s4 =	simm.s32 $0x1BF5;
	[smem:$0x3FBC] =	sst s0  }
0x18: {  	s0 =	sld [smem:$0x3F9F];
	_ =	swait.ge [sflag:s4], $0x0  }
0x19: {  	s7 =	sld [smem:$0x3FA0]  }
0x1a: {  	s8 =	sadd.s32 $0xFFFFE003, lr  }
0x1b: {  	s9 =	sadd.s32 $0xFFFFFEF7, lr;
	s5 =	simm.s32 $0xFFFFFFFF;
	p2 =	slt.u32 s8, $0xFFFFF086  }
0x1c: {  	p1 =	slt.u32 s9, $0xF7A;
	s5 =	simm.s32 @!p2 $0x0  }
0x1d: {  	s5 =	simm.s32 @p1 $0x1;
	p0 =	seq.s32 s7, s2  }
0x1e: {  	s7 =	smul.u32 @!p0 $0xF7A, s2;
	p2 =	seq.s32 @!p0 s5, $0x0  }
0x1f: {  	s9 =	smul.u32 $0xF7A, s1;
	s8 =	simm.s32 @!p0 $0x1BF5;
	p2 =	por !p2, p0  }
0x20: {  	[sflag:s8] =	ssyncset.s32 @!p0 $0xFFFFF086;
	s6 =	sadd.s32 @!p0 s3, s7;
	s7 =	simm.s32 @!p0 $0x108  }
0x21: {  	s3 =	sadd.s32 s3, s9;
	s6 =	sadd.s32 @!p0 $0x88, s6;
	s7 =	simm.s32 @p2 $0x1082  }
0x22: {  	[simem:s7], [sflag:s8] =	dma.local @!p0 [hbm:s6], $0xF7A  }
0x23: {  	s9 =	sor.u32 $0xD0000000, s2;
	s6 =	simm.s32 $0x108;
	_ =	swait.ge @!p0 [sflag:s8], $0x0  }
0x24: {  	s3 =	sadd.s32 $0x88, s3;
	s6 =	simm.s32 @!p1 $0x1082;
	[sflag:s4] =	ssyncset.s32 $0xFFFFF086  }
0x25: {  	[simem:s6], [sflag:s4] =	dma.local [hbm:s3], $0xF7A  }
0x26: {  	[smem:$0x3FA0] =	sst s1;
	(tag) =	ssettag s2;
	_ =	strace s9  }
0x27: {  	s1 =	sld [smem:$0x3FB0]  }
0x28: {  	s2 =	sld [smem:$0x3FB1]  }
0x29: {  	s4 =	sld [smem:$0x3FB3]  }
0x2a: {  	p0 =	seq.s32 s5, $0x0;
	s5 =	sld [smem:$0x3FB4]  }
0x2b: {  	s6 =	sld [smem:$0x3FB5]  }
0x2c: {  	s7 =	sld [smem:$0x3FB6]  }
0x2d: {  	s3 =	simm.s32 $0x108;
	s8 =	sld [smem:$0x3FB7]  }
0x2e: {  	s3 =	simm.s32 @!p0 $0x1082;
	s9 =	sld [smem:$0x3FB8]  }
0x2f: {  	lr =	sadd.s32 s0, s3;
	s0 =	sld [smem:$0x3FAF]  }
0x30: {  	s3 =	sld [smem:$0x3FB2]  }
0x31: {  	[smem:$0x3FBB] =	sst s10  }
0x32: {  	s10 =	sld [smem:$0x3FB9];
	_ =	sdelay $0x3  }
0x33: {  	p0 =	seq.s32 s10, $0x1;
	s10 =	sld [smem:$0x3FBB];
	_ =	sdelay $0x3  }
0x34: {  	[smem:$0x3FBB] =	sst s10  }
0x35: {  	s10 =	sld [smem:$0x3FBA];
	_ =	sdelay $0x3  }
0x36: {  	p1 =	seq.s32 s10, $0x1;
	s10 =	sld [smem:$0x3FBB];
	_ =	sdelay $0x3  }
0x37: {  	[smem:$0x3FBB] =	sst s10  }
0x38: {  	s10 =	sld [smem:$0x3FBC]  }
0x39: {  	_ = 	snop;
	(pc) =	sbr.ind lr, $3  }
0x3a: {  	_ = 	snop  }
0x3b: {  	_ = 	snop  }
0x3c: {  	p2 =	seq.s32 s10, $0x1;
	s10 =	sld [smem:$0x3FBB]  }
0x3d: {  	_ =	shalt  }
0x3e: {  	_ =	shalt  }
0x3f: {  	_ =	shalt  }
0x40: {  	_ =	shalt  }
0x41: {  	_ =	shalt  }
0x42: {  	_ =	shalt  }
0x43: {  	_ =	shalt  }
0x44: {  	_ =	shalt  }
0x45: {  	_ =	shalt  }
0x46: {  	_ =	shalt  }
0x47: {  	_ =	shalt  }
0x48: {  	_ =	shalt  }
0x49: {  	_ =	shalt  }
0x4a: {  	_ =	shalt  }
0x4b: {  	_ =	shalt  }
0x4c: {  	_ =	shalt  }
0x4d: {  	_ =	shalt  }
0x4e: {  	_ =	shalt  }
0x4f: {  	_ =	shalt  }
0x50: {  	_ =	shalt  }
0x51: {  	_ =	shalt  }
0x52: {  	_ =	shalt  }
0x53: {  	_ =	shalt  }
0x54: {  	_ =	shalt  }
0x55: {  	_ =	shalt  }
0x56: {  	_ =	shalt  }
0x57: {  	_ =	shalt  }
0x58: {  	_ =	shalt  }
0x59: {  	_ =	shalt  }
0x5a: {  	_ =	shalt  }
0x5b: {  	_ =	shalt  }
0x5c: {  	_ =	shalt  }
0x5d: {  	_ =	shalt  }
0x5e: {  	_ =	shalt  }
0x5f: {  	_ =	shalt  }
0x60: {  	_ =	shalt  }
0x61: {  	_ =	shalt  }
0x62: {  	_ =	shalt  }
0x63: {  	_ =	shalt  }
0x64: {  	_ =	shalt  }
0x65: {  	_ =	shalt  }
0x66: {  	_ =	shalt  }
0x67: {  	_ =	shalt  }
0x68: {  	_ =	shalt  }
0x69: {  	_ =	shalt  }
0x6a: {  	_ =	shalt  }
0x6b: {  	_ =	shalt  }
0x6c: {  	_ =	shalt  }
0x6d: {  	_ =	shalt  }
0x6e: {  	_ =	shalt  }
0x6f: {  	_ =	shalt  }
0x70: {  	_ =	shalt  }
0x71: {  	_ =	shalt  }
0x72: {  	_ =	shalt  }
0x73: {  	_ =	shalt  }
0x74: {  	_ =	shalt  }
0x75: {  	_ =	shalt  }
0x76: {  	_ =	shalt  }
0x77: {  	_ =	shalt  }
0x78: {  	_ =	shalt  }
0x79: {  	_ =	shalt  }
0x7a: {  	_ =	shalt  }
0x7b: {  	_ =	shalt  }
0x7c: {  	_ =	shalt  }
0x7d: {  	_ =	shalt  }
0x7e: {  	_ =	shalt  }
0x7f: {  	_ =	shalt  }
0x80: {  	_ =	shalt  }
0x81: {  	_ =	shalt  }
0x82: {  	_ =	shalt  }
0x83: {  	_ =	shalt  }
0x84: {  	_ =	shalt  }
0x85: {  	_ =	shalt  }
0x86: {  	_ =	shalt  }
0x87: {  	_ =	shalt  }
.Lfunc_end0:
.L_simem_size_0:
called_computation_lowered:
.L_overlay_start_0:
0x88: {  	s2 =	sld [smem:$0x3FD9]  }
0x89: {  	s3 =	sld [smem:$0x3FFE];
	_ =	sdelay $0x1  }
0x8a: {  	s1 =	srdreg.scid  }
0x8b: {  	s0 =	sand.u32 $0x1, s1  }
0x8c: {  	s18 =	sshll.u32 s0, $0xA;
	s2 =	sadd.s32 s3, s2  }
0x8d: {  	s2 =	sadd.s32 s2, s18  }
0x8e: {  	[smem:$0x3FC7] =	sst s2  }
0x8f: {  	_ = 	snop  }
0x90: {  	s2 =	sld [smem:$0x3FC9]  }
0x91: {  	s19 =	sld [smem:$0x3FD0];
	(tm) =	ssettm $0x1  }
0x92: {  	s4 =	sld [smem:$0x3FFB];
	_ =	sdelay $0x3  }
0x93: {  	_ =	strace s4  }
0x94: {  	s4 =	sld [smem:$0x3FFC];
	_ =	sdelay $0x3  }
0x95: {  	_ =	strace s4  }
0x96: {  	s4 =	sld [smem:$0x3FFD];
	_ =	sdelay $0x3  }
0x97: {  	_ =	strace s4  }
0x98: {  	_ =	strace $0x8FFFFFFF  }
0x99: {  	s20 =	sld [smem:$0x3FDB];
	_ =	sdelay $0x1  }
0x9a: {  	s5 =	simm.s32 $_scs_section_size  }
0x9b: {  	s6 =	simm.s32 $_size__tile_overlayer_lowered;
	s7 =	simm.s32 $_tile_overlayer_lowered  }
0x9c: {  	s23 =	simm.s32 $0x1BFF;
	s22 =	sshll.u32 s7, $0x1;
	s4 =	sadd.s32 s5, s20  }
0x9d: {  	s8 =	simm.s32 $0x0;
	s21 =	sshll.u32 s6, $0x1;
	s6 =	sadd.s32 s22, s4  }
0x9e: {  	[timem:s8], [sflag:s23] =	dma.local [hbm:s6], s21  }
0x9f: {  	_ =	swait.ge [sflag:s23], s21  }
0xa0: {  	s5 =	ssub.s32 $0x0, s21;
	[sflag:s23] =	ssyncset.done $0x0  }
0xa1: {  	[sflag:s23] =	ssyncadd.s32 s5;
	_ =	sdelay $0x1  }
0xa2: {  	s24 =	simm.s32 $0x1B8B  }
0xa3: {  	_ =	swait.ge [sflag:s24], $0x1  }
0xa4: {  	[sflag:s24] =	ssyncset.done $0x0  }
0xa5: {  	s25 =	simm.s32 $0x1B8E;
	[sflag:s24] =	ssyncadd.s32 $0xFFFFFFFF  }
0xa6: {  	s26 =	simm.s32 $execute0_lowered;
	[smem:$0x3FD2] =	sst s25  }
0xa7: {  	s5 =	sshll.u32 s26, $0x1;
	_ =	strace $0x80000046;
	[dreg:$0x1] =	wrdreg $0xFFFFFFFF  }
0xa8: {  	s28 =	simm.s32 $_size_execute0_lowered;
	s4 =	sadd.s32 s4, s5;
	[dreg:$0x0] =	wrdreg $0x0  }
0xa9: {  	s5 =	sshll.u32 s28, $0x1;
	[dreg:$0x2] =	wrdreg s4  }
0xaa: {  	[dreg:$0x3] =	wrdreg s5  }
0xab: {  	[dreg:$0x4] =	wrdreg $0xC0  }
0xac: {  	_ =	task [dreg:s8], $0x5FFFF  }
0xad: {  	[dreg:$0x1] =	wrdreg $0xFFFFFFFF  }
0xae: {  	[dreg:$0x0] =	wrdreg $0x60  }
0xaf: {  	[dreg:$0x2] =	wrdreg s2  }
0xb0: {  	[dreg:$0x3] =	wrdreg s19  }
0xb1: {  	[dreg:$0x4] =	wrdreg $0x9  }
0xb2: {  	_ =	task.clear_ibuf [dreg:s8], $0x5FFFF;
	_ =	strace $0x90000046  }
0xb3: {  	s29 =	simm.s32 $0x9;
	_ =	strace $0x80000048  }
0xb4: {  	_ =	swait.ge [sflag:s29], $0x1  }
0xb5: {  	[sflag:s29] =	ssyncadd.s32 $0xFFFFFFFF  }
0xb6: {  	_ =	strace $0x90000048  }
0xb7: {  	_ =	sfence  }
0xb8: {  	s30 =	sld [smem:$0x0];
	_ =	sdelay $0x2  }
0xb9: {  	s31 =	sshll.u32 s1, $0xD;
	s1 =	sshrl.u32 s1, $0x2  }
0xba: {  	s3 =	sand.u32 $0x4000, s31;
	s1 =	sadd.s32 s1, s30  }
0xbb: {  	s0 =	sor.u32 s3, s0;
	s1 =	sshll.u32 s1, $0x11  }
0xbc: {  	s0 =	sor.u32 s1, s0  }
0xbd: {  	s0 =	sadd.s32 $0x8F2B, s0  }
0xbe: {  	[sflag:s0] =	ssyncadd.remote.s32 $0x1  }
0xbf: {  	_ =	sfence.sel $0xFFFF  }
0xc0: {  	[dreg:$0x0] =	wrdreg $0xFFFFFFFF;
	(pc) =	sbr.abs _section_cstart, $3  }
0xc1: {  	[dreg:$0x1] =	wrdreg $0xFFFFFFFF  }
0xc2: {  	_ =	task.clear_ibuf [dreg:s8], $0x2FFFF;
	_ =	strace $0x9FFFFFFF  }
0xc3: {  	(tm) =	ssettm $0x7FFFFFFF  }
tec
execute0_lowered:
.L_overlay_start_1:
0x0: {  	(tag) =	ssettag $0x1  }
0x1: {  	s1 =	srdreg.scid;
	s2 =	stileid.u32  }
0x2: {  	s0 =	rddreg [dreg:$0x0];
	s1 =	sand.u32 $0x1, s1;
	s4 =	sshll.u32 s2, $0x1  }
0x3: {  	s3 =	rddreg [dreg:$0x1];
	s2 =	simm.s32 $0x0;
	s4 =	sor.u32 s1, s4  }
0x4: {  	[smem:$0x7FF] =	sst s2;
	s1 =	ssub.s32 $0x2, s1;
	s5 =	smul.u32 $0x30D40, s4  }
0x5: {  	s31 =	simm.s32 $0x6200;
	_ =	strace $0x80000047;
	s17 =	sshrl.u32 s1, $0x1  }
0x6: {  	s1 =	ssub.s32 s1, s17;
	s6 =	sshrl.u32 s5, $0x3;
	s18 =	sadd.s32 $0x61A8, s5  }
0x7: {  	s24 =	sadd.s32 $0x124F8, s5;
	s10 =	sadd.s32 $0x1E848, s5;
	s5 =	sadd.s32 $0x2AB98, s5  }
0x8: {  	s7 =	sadd.s32 s0, s6;
	s19 =	sshrl.u32 s18, $0x3;
	s4 =	sadd.s32 s3, s6  }
0x9: {  	s25 =	sadd.s32 $0x186A, s6;
	s26 =	sadd.s32 $0x30D4, s6;
	s10 =	sshrl.u32 s10, $0x3  }
0xa: {  	s6 =	sadd.s32 $0x493E, s6;
	s5 =	sshrl.u32 s5, $0x3;
	[dreg:$0x3] =	wrdreg s7  }
0xb: {  	s8 =	sadd.s32 s0, s19;
	s20 =	sadd.s32 $0xC3500, s4;
	s21 =	sadd.s32 $0xC3EC4, s4  }
0xc: {  	s22 =	sadd.s32 $0xC4888, s4;
	s23 =	sadd.s32 $0xC524C, s4;
	s9 =	sadd.s32 $0xC5C10, s4  }
0xd: {  	s11 =	sadd.s32 s0, s25;
	s13 =	sadd.s32 s3, s19;
	s14 =	sadd.s32 s0, s26  }
0xe: {  	s15 =	sadd.s32 s3, s25;
	s16 =	sadd.s32 s0, s10;
	[dreg:$0x4] =	wrdreg s8  }
0xf: {  	s18 =	sadd.s32 s0, s6;
	s19 =	sadd.s32 s3, s26;
	[dreg:$0x5] =	wrdreg s20  }
0x10: {  	s25 =	smax.u32 s1, $0x1;
	s26 =	sadd.s32 $0xC6F98, s4;
	[dreg:$0x6] =	wrdreg s21  }
0x11: {  	s28 =	sadd.s32 $0xC795C, s4;
	s29 =	sadd.s32 $0xC8320, s4;
	[dreg:$0x7] =	wrdreg s22  }
0x12: {  	s30 =	sadd.s32 $0xC8CE4, s4;
	s1 =	simm.s32 $0x18800;
	[dreg:$0x8] =	wrdreg s23  }
0x13: {  	s7 =	simm.s32 $0x3;
	[dreg:$0x9] =	wrdreg s9;
	s8 =	sshrl.u32 s24, $0x3  }
0x14: {  	s20 =	sadd.s32 s0, s5;
	s21 =	sadd.s32 s3, s10;
	s22 =	sadd.s32 s3, s6  }
0x15: {  	s23 =	sadd.s32 s3, s5;
	s24 =	sadd.s32 $0xC65D4, s4;
	s5 =	simm.s32 $0x12600  }
0x16: {  	s6 =	simm.s32 $0x2;
	s12 =	sadd.s32 s0, s8;
	s17 =	sadd.s32 s3, s8  }
0x17: {  	v0 =	vimm.f32 $0.0e+00;
	s0 =	simm.s32 $0xC400;
	s3 =	simm.s32 $0x1;
	s8 =	simm.s32 $0x0  }
.LBB2_1:
0x18: {  	s9 =	rddreg [dreg:$0x3]  }
0x19: {  	[tilespmem:s2], [sflag:$0x1] =	stream.linear.gather [hbm4b:s9+s2], $0x61A8, $0x38;
	[tilespmem:$0x1D680] =	vst v63  }
0x1a: {  	s10 =	rddreg [dreg:$0x4];
	s9 =	simm.s32 $0x18880  }
0x1b: {  	[tilespmem:s31], [sflag:$0x1] =	stream.linear.gather [hbm4b:s10+s2], $0x61A8, $0x38;
	[tilespmem:$0x1D680] =	vst v63  }
0x1c: {  	[tilespmem:s9+$0xFFFFFF80] =	vst v0  }
0x1d: {  	[tilespmem:s9+$0x70] =	vst v0  }
0x1e: {  	[tilespmem:s9+$0x60] =	vst v0  }
0x1f: {  	[tilespmem:s9+$0x50] =	vst v0  }
0x20: {  	[tilespmem:s9+$0x40] =	vst v0  }
0x21: {  	[tilespmem:s9+$0x30] =	vst v0  }
0x22: {  	[tilespmem:s9+$0x20] =	vst v0  }
0x23: {  	[tilespmem:s9+$0x10] =	vst v0  }
0x24: {  	[tilespmem:s9+$0x0] =	vst v0  }
0x25: {  	[tilespmem:s9+$0xFFFFFFF0] =	vst v0  }
0x26: {  	[tilespmem:s9+$0xFFFFFFE0] =	vst v0  }
0x27: {  	[tilespmem:s9+$0xFFFFFFD0] =	vst v0  }
0x28: {  	[tilespmem:s9+$0xFFFFFFC0] =	vst v0  }
0x29: {  	[tilespmem:s9+$0xFFFFFFB0] =	vst v0  }
0x2a: {  	s10 =	simm.s32 $0x0;
	[tilespmem:s9+$0xFFFFFFA0] =	vst v0  }
.LBB2_2:
0x2b: {  	s10 =	sadd.s32 $0x10, s10;
	[tilespmem:s9+$0xFFFFFF90] =	vst v0;
	s9 =	sadd.s32 $0x100, s9  }
0x2c: {  	[tilespmem:s9+$0xFFFFFF80] =	vst v0;
	p0 =	slt.u32 s10, $0x4D0  }
0x2d: {  	[tilespmem:s9+$0x70] =	vst v0  }
0x2e: {  	[tilespmem:s9+$0x60] =	vst v0  }
0x2f: {  	[tilespmem:s9+$0x50] =	vst v0  }
0x30: {  	[tilespmem:s9+$0x40] =	vst v0  }
0x31: {  	[tilespmem:s9+$0x30] =	vst v0  }
0x32: {  	[tilespmem:s9+$0x20] =	vst v0  }
0x33: {  	[tilespmem:s9+$0x10] =	vst v0  }
0x34: {  	[tilespmem:s9+$0x0] =	vst v0  }
0x35: {  	[tilespmem:s9+$0xFFFFFFF0] =	vst v0  }
.Ltmp0:
0x36: {  	[tilespmem:s9+$0xFFFFFFE0] =	vst v0;
	(pc) =	sbr.rel @p0 .LBB2_2-.Ltmp0, $4  }
0x37: {  	[tilespmem:s9+$0xFFFFFFD0] =	vst v0  }
0x38: {  	[tilespmem:s9+$0xFFFFFFC0] =	vst v0  }
0x39: {  	[tilespmem:s9+$0xFFFFFFB0] =	vst v0  }
0x3a: {  	[tilespmem:s9+$0xFFFFFFA0] =	vst v0  }
0x3b: {  	[tilespmem:s9+$0xFFFFFF90] =	vst v0  }
0x3c: {  	[tilespmem:$0x1D600] =	vst v0  }
0x3d: {  	s10 =	rddreg [dreg:$0x5];
	[tilespmem:$0x1D610] =	vst v0  }
0x3e: {  	[hbm4b:s10+s2] =	stream.linear.scatter [tilespmem:s1], [sflag:$0x3], $0x4E20, $0x38;
	[tilespmem:$0x1D680] =	vst v63  }
0x3f: {  	s10 =	rddreg [dreg:$0x6]  }
0x40: {  	[hbm4b:s10+s2] =	stream.linear.scatter [tilespmem:s1], [sflag:$0x3], $0x4E20, $0x38;
	[tilespmem:$0x1D680] =	vst v63  }
0x41: {  	s10 =	rddreg [dreg:$0x7]  }
0x42: {  	[hbm4b:s10+s2] =	stream.linear.scatter [tilespmem:s1], [sflag:$0x3], $0x4E20, $0x38;
	[tilespmem:$0x1D680] =	vst v63  }
0x43: {  	s10 =	rddreg [dreg:$0x8]  }
0x44: {  	[hbm4b:s10+s2] =	stream.linear.scatter [tilespmem:s1], [sflag:$0x3], $0x4E20, $0x38;
	[tilespmem:$0x1D680] =	vst v63  }
0x45: {  	s10 =	rddreg [dreg:$0x9]  }
0x46: {  	[hbm4b:s10+s2] =	stream.linear.scatter [tilespmem:s1], [sflag:$0x3], $0x4E20, $0x38;
	[tilespmem:$0x1D680] =	vst v63  }
0x47: {  	_ = 	snop  }
0x48: {  	[hbm4b:s24+s2] =	stream.linear.scatter [tilespmem:s1], [sflag:$0x3], $0x4E20, $0x38;
	[tilespmem:$0x1D680] =	vst v63  }
0x49: {  	_ = 	snop  }
0x4a: {  	[hbm4b:s26+s2] =	stream.linear.scatter [tilespmem:s1], [sflag:$0x3], $0x4E20, $0x38;
	[tilespmem:$0x1D680] =	vst v63  }
0x4b: {  	_ = 	snop  }
0x4c: {  	[hbm4b:s28+s2] =	stream.linear.scatter [tilespmem:s1], [sflag:$0x3], $0x4E20, $0x38;
	[tilespmem:$0x1D680] =	vst v63  }
0x4d: {  	_ = 	snop  }
0x4e: {  	[hbm4b:s29+s2] =	stream.linear.scatter [tilespmem:s1], [sflag:$0x3], $0x4E20, $0x38;
	[tilespmem:$0x1D680] =	vst v63  }
0x4f: {  	_ = 	snop  }
0x50: {  	[hbm4b:s30+s2] =	stream.linear.scatter [tilespmem:s1], [sflag:$0x3], $0x4E20, $0x38;
	[tilespmem:$0x1D680] =	vst v63  }
0x51: {  	_ = 	snop  }
0x52: {  	[tilespmem:s0], [sflag:$0x1] =	stream.linear.gather [hbm4b:s11+s2], $0x61A8, $0x38;
	[tilespmem:$0x1D680] =	vst v63  }
0x53: {  	_ =	swait.ge [sflag:s3], $0x61A8  }
0x54: {  	[sflag:s3] =	ssyncset.done $0x0  }
0x55: {  	[sflag:s3] =	ssyncadd.s32 $0xFFFF9E58  }
0x56: {  	[hbm4b:s4+s2] =	stream.linear.scatter [tilespmem:s2], [sflag:$0x2], $0x61A8, $0x38;
	[tilespmem:$0x1D680] =	vst v63  }
0x57: {  	_ = 	snop  }
0x58: {  	[tilespmem:s5], [sflag:$0x1] =	stream.linear.gather [hbm4b:s12+s2], $0x61A8, $0x38;
	[tilespmem:$0x1D680] =	vst v63  }
0x59: {  	_ =	swait.ge [sflag:s3], $0x61A8  }
0x5a: {  	[sflag:s3] =	ssyncset.done $0x0  }
0x5b: {  	[sflag:s3] =	ssyncadd.s32 $0xFFFF9E58  }
0x5c: {  	[hbm4b:s13+s2] =	stream.linear.scatter [tilespmem:s31], [sflag:$0x2], $0x61A8, $0x38;
	[tilespmem:$0x1D680] =	vst v63  }
0x5d: {  	_ =	swait.ge [sflag:s6], $0x61A8  }
0x5e: {  	[sflag:s6] =	ssyncset.done $0x0  }
0x5f: {  	[sflag:s6] =	ssyncadd.s32 $0xFFFF9E58  }
0x60: {  	[tilespmem:s2], [sflag:$0x1] =	stream.linear.gather [hbm4b:s14+s2], $0x61A8, $0x38;
	[tilespmem:$0x1D680] =	vst v63  }
0x61: {  	_ =	swait.ge [sflag:s3], $0x61A8  }
0x62: {  	[sflag:s3] =	ssyncset.done $0x0  }
0x63: {  	[sflag:s3] =	ssyncadd.s32 $0xFFFF9E58  }
0x64: {  	[hbm4b:s15+s2] =	stream.linear.scatter [tilespmem:s0], [sflag:$0x2], $0x61A8, $0x38;
	[tilespmem:$0x1D680] =	vst v63  }
0x65: {  	_ =	swait.ge [sflag:s6], $0x61A8  }
0x66: {  	[sflag:s6] =	ssyncset.done $0x0  }
0x67: {  	[sflag:s6] =	ssyncadd.s32 $0xFFFF9E58  }
0x68: {  	[tilespmem:s31], [sflag:$0x1] =	stream.linear.gather [hbm4b:s16+s2], $0x61A8, $0x38;
	[tilespmem:$0x1D680] =	vst v63  }
0x69: {  	_ =	swait.ge [sflag:s3], $0x61A8  }
0x6a: {  	[sflag:s3] =	ssyncset.done $0x0  }
0x6b: {  	[sflag:s3] =	ssyncadd.s32 $0xFFFF9E58  }
0x6c: {  	[hbm4b:s17+s2] =	stream.linear.scatter [tilespmem:s5], [sflag:$0x2], $0x61A8, $0x38;
	[tilespmem:$0x1D680] =	vst v63  }
0x6d: {  	_ =	swait.ge [sflag:s6], $0x61A8  }
0x6e: {  	[sflag:s6] =	ssyncset.done $0x0  }
0x6f: {  	[sflag:s6] =	ssyncadd.s32 $0xFFFF9E58  }
0x70: {  	[tilespmem:s0], [sflag:$0x1] =	stream.linear.gather [hbm4b:s18+s2], $0x61A8, $0x38;
	[tilespmem:$0x1D680] =	vst v63  }
0x71: {  	_ =	swait.ge [sflag:s3], $0x61A8  }
0x72: {  	[sflag:s3] =	ssyncset.done $0x0  }
0x73: {  	[sflag:s3] =	ssyncadd.s32 $0xFFFF9E58  }
0x74: {  	[hbm4b:s19+s2] =	stream.linear.scatter [tilespmem:s2], [sflag:$0x2], $0x61A8, $0x38;
	[tilespmem:$0x1D680] =	vst v63  }
0x75: {  	_ =	swait.ge [sflag:s6], $0x61A8  }
0x76: {  	[sflag:s6] =	ssyncset.done $0x0  }
0x77: {  	[sflag:s6] =	ssyncadd.s32 $0xFFFF9E58  }
0x78: {  	[tilespmem:s5], [sflag:$0x1] =	stream.linear.gather [hbm4b:s20+s2], $0x61A8, $0x38;
	[tilespmem:$0x1D680] =	vst v63  }
0x79: {  	_ =	swait.ge [sflag:s3], $0x61A8  }
0x7a: {  	[sflag:s3] =	ssyncset.done $0x0  }
0x7b: {  	[sflag:s3] =	ssyncadd.s32 $0xFFFF9E58  }
0x7c: {  	[hbm4b:s21+s2] =	stream.linear.scatter [tilespmem:s31], [sflag:$0x2], $0x61A8, $0x38;
	[tilespmem:$0x1D680] =	vst v63  }
0x7d: {  	_ =	swait.ge [sflag:s3], $0x61A8  }
0x7e: {  	[sflag:s3] =	ssyncset.done $0x0  }
0x7f: {  	[sflag:s3] =	ssyncadd.s32 $0xFFFF9E58  }
0x80: {  	[hbm4b:s22+s2] =	stream.linear.scatter [tilespmem:s0], [sflag:$0x2], $0x61A8, $0x38;
	[tilespmem:$0x1D680] =	vst v63  }
0x81: {  	_ =	swait.ge [sflag:s3], $0x61A8  }
0x82: {  	[sflag:s3] =	ssyncset.done $0x0  }
0x83: {  	[sflag:s3] =	ssyncadd.s32 $0xFFFF9E58  }
0x84: {  	[hbm4b:s23+s2] =	stream.linear.scatter [tilespmem:s5], [sflag:$0x2], $0x61A8, $0x38;
	[tilespmem:$0x1D680] =	vst v63  }
0x85: {  	_ =	swait.ge [sflag:s6], $0x61A8  }
0x86: {  	[sflag:s6] =	ssyncset.done $0x0  }
0x87: {  	[sflag:s6] =	ssyncadd.s32 $0xFFFF9E58  }
0x88: {  	_ =	swait.ge [sflag:s6], $0x61A8  }
0x89: {  	[sflag:s6] =	ssyncset.done $0x0  }
0x8a: {  	[sflag:s6] =	ssyncadd.s32 $0xFFFF9E58  }
0x8b: {  	_ =	swait.ge [sflag:s6], $0x61A8  }
0x8c: {  	[sflag:s6] =	ssyncset.done $0x0  }
0x8d: {  	[sflag:s6] =	ssyncadd.s32 $0xFFFF9E58  }
0x8e: {  	_ =	swait.ge [sflag:s6], $0x61A8  }
0x8f: {  	[sflag:s6] =	ssyncset.done $0x0  }
0x90: {  	[sflag:s6] =	ssyncadd.s32 $0xFFFF9E58  }
0x91: {  	_ =	swait.ge [sflag:s7], $0x4E20  }
0x92: {  	[sflag:s7] =	ssyncset.done $0x0  }
0x93: {  	[sflag:s7] =	ssyncadd.s32 $0xFFFFB1E0  }
0x94: {  	_ =	swait.ge [sflag:s7], $0x4E20  }
0x95: {  	[sflag:s7] =	ssyncset.done $0x0  }
0x96: {  	[sflag:s7] =	ssyncadd.s32 $0xFFFFB1E0  }
0x97: {  	_ =	swait.ge [sflag:s7], $0x4E20  }
0x98: {  	[sflag:s7] =	ssyncset.done $0x0  }
0x99: {  	[sflag:s7] =	ssyncadd.s32 $0xFFFFB1E0  }
0x9a: {  	_ =	swait.ge [sflag:s7], $0x4E20  }
0x9b: {  	[sflag:s7] =	ssyncset.done $0x0  }
0x9c: {  	[sflag:s7] =	ssyncadd.s32 $0xFFFFB1E0  }
0x9d: {  	_ =	swait.ge [sflag:s7], $0x4E20  }
0x9e: {  	[sflag:s7] =	ssyncset.done $0x0  }
0x9f: {  	[sflag:s7] =	ssyncadd.s32 $0xFFFFB1E0  }
0xa0: {  	_ =	swait.ge [sflag:s7], $0x4E20  }
0xa1: {  	[sflag:s7] =	ssyncset.done $0x0  }
0xa2: {  	[sflag:s7] =	ssyncadd.s32 $0xFFFFB1E0  }
0xa3: {  	_ =	swait.ge [sflag:s7], $0x4E20  }
0xa4: {  	[sflag:s7] =	ssyncset.done $0x0  }
0xa5: {  	[sflag:s7] =	ssyncadd.s32 $0xFFFFB1E0  }
0xa6: {  	_ =	swait.ge [sflag:s7], $0x4E20  }
0xa7: {  	[sflag:s7] =	ssyncset.done $0x0  }
0xa8: {  	s8 =	sadd.s32 $0x1, s8;
	[sflag:s7] =	ssyncadd.s32 $0xFFFFB1E0  }
0xa9: {  	p0 =	sne.s32 s8, s25;
	_ =	swait.ge [sflag:s7], $0x4E20  }
.Ltmp1:
0xaa: {  	[sflag:s7] =	ssyncset.done $0x0;
	(pc) =	sbr.rel @p0 .LBB2_1-.Ltmp1, $4  }
0xab: {  	[sflag:s7] =	ssyncadd.s32 $0xFFFFB1E0  }
0xac: {  	_ =	swait.ge [sflag:s7], $0x4E20  }
0xad: {  	[sflag:s7] =	ssyncset.done $0x0  }
0xae: {  	[sflag:s7] =	ssyncadd.s32 $0xFFFFB1E0  }
0xaf: {  	_ =	sfence.sel $0x180000  }
0xb0: {  	[bflag:$0x0] =	sbarrier.arrive $0xFFFF  }
0xb1: {  	_ =	strace $0x90000047  }
0xb2: {  	s0 =	stileid.u32;
	[bflag:$0x2] =	sbarrier.arrive $0xFFFF  }
0xb3: {  	p0 =	sne.s32 s0, $0x0;
	s0 =	rddreg [dreg:$0x2]  }
0xb4: {  	s0 =	sadd.s32 @!p0 $0x100000, s0  }
0xb5: {  	[sflag:s0] =	ssyncadd.tile.s32 @!p0 $0x1;
	_ =	shalt  }
.Lfunc_end2:
_tile_overlayer_lowered:
.L_overlay_start_2:
0xb6: {  	(tag) =	ssettag $0x2  }
0xb7: {  	s0 =	rddreg [dreg:$0x0];
	s2 =	stileid.u32  }
0xb8: {  	s1 =	rddreg [dreg:$0x1];
	p0 =	sne.s32 s2, $0x0  }
0xb9: {  	s3 =	rddreg [dreg:$0x2];
	[bflag:$0x3] =	sbarrier.arrive $0xFFFF;
	s2 =	simm.s32 @!p0 $0x1C04  }
0xba: {  	[timem:s3], [sflag:s2] =	dma.local @!p0 [hbm:s0], s1  }
0xbb: {  	s0 =	simm.s32 @!p0 $0x4  }
0xbc: {  	_ =	swait.ge @!p0 [sflag:s0], s1  }
0xbd: {  	s1 =	ssub.s32 @!p0 $0x0, s1;
	[sflag:s0] =	ssyncset.done @!p0 $0x0  }
0xbe: {  	[sflag:s0] =	ssyncadd.s32 @!p0 s1  }
0xbf: {  	[bflag:$0x3] =	sbarrier.arrive $0xFFFF  }
0xc0: {  	_ =	shalt  }

</sc_bundles>
